<compile_context>
chip_gen: v7x
topology: tpu7x:2x2x1
jax: 0.10.2.dev20260603
libtpu: 0.0.44.dev20260713+nightly
codegen_flags: <defaults>
</compile_context>

<pallas_src>
import functools

import jax
import jax.numpy as jnp
from jax import lax
from jax.experimental import pallas as pl
from jax.experimental.pallas import tpu as pltpu
from jax.experimental.pallas import tpu_sc as plsc

SEQ = 200
BATCH = 4096
EMB = 64
LANES = 16
NCORES = 2
NWORKERS = NCORES * 16
B_PER_W = BATCH // NWORKERS
DCHUNKS = EMB // LANES
INV_SEQ = 1.0 / SEQ


def _pool_body(review_hbm, table_hbm, out_hbm, idx_v, buf0, buf1, acc, sem0, sem1):
    wid = lax.axis_index("s") * NCORES + lax.axis_index("c")
    base = wid * B_PER_W

    pltpu.sync_copy(review_hbm.at[:, pl.ds(base, B_PER_W)], idx_v)

    def dbody(s, _):
        for k in range(B_PER_W // LANES):
            sl = pl.ds(k * LANES, LANES)
            idx_v[s, sl] = lax.shift_left(idx_v[s, sl], 1)
        return 0

    lax.fori_loop(0, SEQ, dbody, 0)

    zeros = jnp.zeros((LANES,), jnp.float32)

    def zbody(r, _):
        for j in range(DCHUNKS):
            acc[r, pl.ds(j * LANES, LANES)] = zeros
        return 0

    lax.fori_loop(0, B_PER_W, zbody, 0)

    bufs = (buf0, buf1)
    sems = (sem0, sem1)

    def start(s, par):
        pltpu.async_copy(table_hbm.at[idx_v.at[s]], bufs[par], sems[par])

    def wait(par):
        pltpu.make_async_copy(
            table_hbm.at[pl.ds(0, B_PER_W)], bufs[par], sems[par]
        ).wait()

    def accumulate(par):
        buf = bufs[par]

        def abody(r, _):
            for j in range(DCHUNKS):
                v = buf[r, pl.ds(j * LANES, LANES)]
                plsc.addupdate(acc.at[r, pl.ds(j * LANES, LANES)], v)
            return 0

        lax.fori_loop(0, B_PER_W, abody, 0)

    start(0, 0)

    def outer(t, _):
        start(2 * t + 1, 1)
        wait(0)
        accumulate(0)
        @pl.when(t < SEQ // 2 - 1)
        def _():
            start(2 * t + 2, 0)

        wait(1)
        accumulate(1)
        return 0

    lax.fori_loop(0, SEQ // 2, outer, 0)

    def sbody(r, _):
        for j in range(DCHUNKS):
            sl = pl.ds(j * LANES, LANES)
            acc[r, sl] = acc[r, sl] * INV_SEQ
        return 0

    lax.fori_loop(0, B_PER_W, sbody, 0)
    pltpu.sync_copy(acc, out_hbm.at[pl.ds(base, B_PER_W)])


def _pooled_embedding(review, table):
    mesh = plsc.VectorSubcoreMesh(
        core_axis_name="c", subcore_axis_name="s", num_cores=NCORES
    )
    k = functools.partial(
        pl.kernel,
        mesh=mesh,
        out_type=jax.ShapeDtypeStruct((BATCH, EMB), jnp.float32),
        scratch_types=[
            pltpu.VMEM((SEQ, B_PER_W), jnp.int32),
            pltpu.VMEM((B_PER_W, EMB), jnp.float32),
            pltpu.VMEM((B_PER_W, EMB), jnp.float32),
            pltpu.VMEM((B_PER_W, EMB), jnp.float32),
            pltpu.SemaphoreType.DMA,
            pltpu.SemaphoreType.DMA,
        ],
        compiler_params=pltpu.CompilerParams(use_tc_tiling_on_sc=False),
    )(_pool_body)
    return k(review, table)


def _mlp_body(x_ref, w1_ref, b1_ref, w2_ref, b2_ref, w3_ref, b3_ref, o_ref):
    x = x_ref[...]
    h = jnp.dot(x, w1_ref[...], preferred_element_type=jnp.float32)
    h = jnp.maximum(h + b1_ref[...][None, :], 0.0)
    h = jnp.dot(h, w2_ref[...], preferred_element_type=jnp.float32)
    h = jnp.maximum(h + b2_ref[...][None, :], 0.0)
    logits = jnp.dot(h, w3_ref[...], preferred_element_type=jnp.float32)
    logits = logits + b3_ref[...][None, :]
    m = jnp.max(logits, axis=-1, keepdims=True)
    shifted = logits - m
    lse = jnp.log(jnp.sum(jnp.exp(shifted), axis=-1, keepdims=True))
    o_ref[...] = shifted - lse


def kernel(review, table, W1, b1, W2, b2, W3, b3):
    review = review.astype(jnp.int32)
    tpad = jnp.pad(table, ((0, 0), (0, EMB)))
    pooled = _pooled_embedding(review, tpad.reshape(2 * table.shape[0], EMB))
    out = pl.pallas_call(
        _mlp_body,
        out_shape=jax.ShapeDtypeStruct((BATCH, W3.shape[1]), jnp.float32),
    )(pooled, W1, b1, W2, b2, W3, b3)
    return out

# --- scband reference (transcript-rebuilt; emitter-appended) ---
"""Pipeline reference for scband-fast-text-39204461478210 (READ-ONLY COPY).

The authoritative reference and input builder live on the scoring server;
editing this copy changes nothing except your own understanding.
"""

import jax, jax.numpy as jnp
import numpy as np

VOCAB = 1000000
EMB = 64
OUT = 5
PAD_IDX = 0
SEQ = 200
BATCH = 4096


def setup_inputs(seed: int = 0) -> dict:
    key = jax.random.key(seed)
    k1, k2, k3, k4, k5, k6, k7, k8 = jax.random.split(key, 8)
    review = jax.random.randint(k1, (SEQ, BATCH), 0, VOCAB, dtype=jnp.int64 if jax.config.jax_enable_x64 else jnp.int32)
    table = jax.random.normal(k2, (VOCAB, EMB), dtype=jnp.float32) * 0.02
    table = table.at[PAD_IDX].set(0.0)
    W1 = jax.random.normal(k3, (EMB, 256), dtype=jnp.float32) * (1.0 / np.sqrt(EMB))
    b1 = jnp.zeros((256,), dtype=jnp.float32)
    W2 = jax.random.normal(k4, (256, 64), dtype=jnp.float32) * (1.0 / np.sqrt(256))
    b2 = jnp.zeros((64,), dtype=jnp.float32)
    W3 = jax.random.normal(k5, (64, OUT), dtype=jnp.float32) * (1.0 / np.sqrt(64))
    b3 = jnp.zeros((OUT,), dtype=jnp.float32)
    return {"review": review, "table": table, "W1": W1, "b1": b1, "W2": W2, "b2": b2, "W3": W3, "b3": b3}


def reference(review, table, W1, b1, W2, b2, W3, b3):
    # embedding lookup with padding_idx semantics (pad row contributes zeros)
    emb = jnp.take(table, review, axis=0)  # [S, B, D]
    mask = (review != PAD_IDX).astype(emb.dtype)[..., None]
    emb = emb * mask
    # permute(1, 0, 2) -> [B, S, D]
    x = jnp.transpose(emb, (1, 0, 2))
    # avg_pool2d over (S, 1) then squeeze -> mean over sequence dim
    x = jnp.mean(x, axis=1)  # [B, D]
    h = jax.nn.relu(x @ W1 + b1)
    h = jax.nn.relu(h @ W2 + b2)
    logits = h @ W3 + b3
    return jax.nn.log_softmax(logits, axis=-1)

if __name__ == "__main__":
    import jax
    _d = setup_inputs()
    print(jax.jit(kernel)(*tuple(_d.values())))

</pallas_src>

<mosaic_0001>
#map = affine_map<(d0, d1) -> (0, 0)>
module attributes {stable_mosaic.version = 14 : i64} {
  func.func @_pool_body(%arg0: i32, %arg1: i32, %arg2: memref<200x4096xi32, #tpu.memory_space<hbm>>, %arg3: memref<2000000x64xf32, #tpu.memory_space<hbm>>, %arg4: memref<4096x64xf32, #tpu.memory_space<hbm>>, %arg5: memref<200x128xi32, #tpu.memory_space<vmem>>, %arg6: memref<128x64xf32, #tpu.memory_space<vmem>>, %arg7: memref<128x64xf32, #tpu.memory_space<vmem>>, %arg8: memref<128x64xf32, #tpu.memory_space<vmem>>, %arg9: memref<!tpu.dma_semaphore, #tpu.memory_space<semaphore_mem>>, %arg10: memref<!tpu.dma_semaphore, #tpu.memory_space<semaphore_mem>>) attributes {dimension_semantics = [#tpu.dimension_semantics<core_parallel>, #tpu.dimension_semantics<subcore_parallel>], iteration_bounds = array<i64: 2, 16>, scalar_prefetch = 0 : i64, scratch_operands = 6 : i64, tpu.core_type = #tpu.core_type<sc_vector_subcore>, window_params = [{transform_indices = #map}, {transform_indices = #map}, {transform_indices = #map}]} {
    %mul3A = arith.constant 2 : i32
    %mul3A_0 = arith.muli %arg1, %mul3A : i32
    %add3A = arith.addi %mul3A_0, %arg0 : i32
    %mul3A_1 = arith.constant 128 : i32
    %mul3A_2 = arith.muli %add3A, %mul3A_1 : i32
    "tpu.region"() ({
      %run_scoped3A = tpu.sem_alloc : memref<!tpu.dma_semaphore, #tpu.memory_space<semaphore_mem>>
      %dma_start3A_37 = arith.constant 0 : i32
      %dma_start3A_38 = tpu.memref_slice %arg2[%dma_start3A_37, %mul3A_2] : memref<200x4096xi32, #tpu.memory_space<hbm>> -> memref<200x128xi32, #tpu.memory_space<hbm>>
      %dma_start3A_39 = arith.constant 0 : i32
      %dma_start3A_40 = tpu.memref_slice %arg2[%dma_start3A_39, %mul3A_2] : memref<200x4096xi32, #tpu.memory_space<hbm>> -> memref<200x128xi32, #tpu.memory_space<hbm>>
      tpu.enqueue_dma source(%dma_start3A_40 : memref<200x128xi32, #tpu.memory_space<hbm>>) target(%arg5 : memref<200x128xi32, #tpu.memory_space<vmem>>) target_semaphore(%run_scoped3A : memref<!tpu.dma_semaphore, #tpu.memory_space<semaphore_mem>>)
      %dma_wait3A = arith.constant 0 : i32
      %dma_wait3A_41 = tpu.memref_slice %arg2[%dma_wait3A, %mul3A_2] : memref<200x4096xi32, #tpu.memory_space<hbm>> -> memref<200x128xi32, #tpu.memory_space<hbm>>
      %dma_wait3A_42 = arith.constant 0 : i32
      %dma_wait3A_43 = tpu.memref_slice %arg2[%dma_wait3A_42, %mul3A_2] : memref<200x4096xi32, #tpu.memory_space<hbm>> -> memref<200x128xi32, #tpu.memory_space<hbm>>
      tpu.wait_dma2 semaphore(%run_scoped3A : memref<!tpu.dma_semaphore, #tpu.memory_space<semaphore_mem>>) src(%dma_wait3A_43 : memref<200x128xi32, #tpu.memory_space<hbm>>) dst(%arg5 : memref<200x128xi32, #tpu.memory_space<vmem>>)
      tpu.yield
    }) : () -> ()
    %scan3A = arith.constant 0 : i32
    %scan3A_3 = arith.constant 0 : i32
    %scan3A_4 = arith.constant 200 : i32
    %scan3A_5 = arith.addi %scan3A_3, %scan3A_4 : i32
    %scan3A_6 = arith.constant 1 : i32
    %scan3A_7 = scf.for %scan3A_37 = %scan3A_3 to %scan3A_5 step %scan3A_6 iter_args(%scan3A_38 = %scan3A) -> (i32)  : i32 {
      %get3A = arith.index_cast %scan3A_37 : i32 to index
      %get3A_39 = arith.constant 0 : index
      %get3A_40 = tpu.vector_load %arg5[%get3A, %get3A_39] {strides = array<i32>} : memref<200x128xi32, #tpu.memory_space<vmem>>, vector<1x16xi32>,
      %get3A_41 = vector.shape_cast %get3A_40 : vector<1x16xi32> to vector<16xi32>
      %shift_left3A = arith.constant 1 : i32
      %shift_left3A_42 = vector.broadcast %shift_left3A : i32 to vector<16xi32>
      %shift_left3A_43 = arith.shli %get3A_41, %shift_left3A_42 : vector<16xi32>
      %swap3A = arith.index_cast %scan3A_37 : i32 to index
      %swap3A_44 = arith.constant 0 : index
      %swap3A_45 = tpu.vector_load %arg5[%swap3A, %swap3A_44] {strides = array<i32>} : memref<200x128xi32, #tpu.memory_space<vmem>>, vector<1x16xi32>,
      %swap3A_46 = vector.shape_cast %swap3A_45 : vector<1x16xi32> to vector<16xi32>
      %swap3A_47 = vector.shape_cast %shift_left3A_43 : vector<16xi32> to vector<1x16xi32>
      tpu.vector_store %arg5[%swap3A, %swap3A_44], %swap3A_47 {strides = array<i32>} : memref<200x128xi32, #tpu.memory_space<vmem>>, vector<1x16xi32>,
      %get3A_48 = arith.index_cast %scan3A_37 : i32 to index
      %get3A_49 = arith.constant 16 : index
      %get3A_50 = tpu.vector_load %arg5[%get3A_48, %get3A_49] {strides = array<i32>} : memref<200x128xi32, #tpu.memory_space<vmem>>, vector<1x16xi32>,
      %get3A_51 = vector.shape_cast %get3A_50 : vector<1x16xi32> to vector<16xi32>
      %shift_left3A_52 = arith.constant 1 : i32
      %shift_left3A_53 = vector.broadcast %shift_left3A_52 : i32 to vector<16xi32>
      %shift_left3A_54 = arith.shli %get3A_51, %shift_left3A_53 : vector<16xi32>
      %swap3A_55 = arith.index_cast %scan3A_37 : i32 to index
      %swap3A_56 = arith.constant 16 : index
      %swap3A_57 = tpu.vector_load %arg5[%swap3A_55, %swap3A_56] {strides = array<i32>} : memref<200x128xi32, #tpu.memory_space<vmem>>, vector<1x16xi32>,
      %swap3A_58 = vector.shape_cast %swap3A_57 : vector<1x16xi32> to vector<16xi32>
      %swap3A_59 = vector.shape_cast %shift_left3A_54 : vector<16xi32> to vector<1x16xi32>
      tpu.vector_store %arg5[%swap3A_55, %swap3A_56], %swap3A_59 {strides = array<i32>} : memref<200x128xi32, #tpu.memory_space<vmem>>, vector<1x16xi32>,
      %get3A_60 = arith.index_cast %scan3A_37 : i32 to index
      %get3A_61 = arith.constant 32 : index
      %get3A_62 = tpu.vector_load %arg5[%get3A_60, %get3A_61] {strides = array<i32>} : memref<200x128xi32, #tpu.memory_space<vmem>>, vector<1x16xi32>,
      %get3A_63 = vector.shape_cast %get3A_62 : vector<1x16xi32> to vector<16xi32>
      %shift_left3A_64 = arith.constant 1 : i32
      %shift_left3A_65 = vector.broadcast %shift_left3A_64 : i32 to vector<16xi32>
      %shift_left3A_66 = arith.shli %get3A_63, %shift_left3A_65 : vector<16xi32>
      %swap3A_67 = arith.index_cast %scan3A_37 : i32 to index
      %swap3A_68 = arith.constant 32 : index
      %swap3A_69 = tpu.vector_load %arg5[%swap3A_67, %swap3A_68] {strides = array<i32>} : memref<200x128xi32, #tpu.memory_space<vmem>>, vector<1x16xi32>,
      %swap3A_70 = vector.shape_cast %swap3A_69 : vector<1x16xi32> to vector<16xi32>
      %swap3A_71 = vector.shape_cast %shift_left3A_66 : vector<16xi32> to vector<1x16xi32>
      tpu.vector_store %arg5[%swap3A_67, %swap3A_68], %swap3A_71 {strides = array<i32>} : memref<200x128xi32, #tpu.memory_space<vmem>>, vector<1x16xi32>,
      %get3A_72 = arith.index_cast %scan3A_37 : i32 to index
      %get3A_73 = arith.constant 48 : index
      %get3A_74 = tpu.vector_load %arg5[%get3A_72, %get3A_73] {strides = array<i32>} : memref<200x128xi32, #tpu.memory_space<vmem>>, vector<1x16xi32>,
      %get3A_75 = vector.shape_cast %get3A_74 : vector<1x16xi32> to vector<16xi32>
      %shift_left3A_76 = arith.constant 1 : i32
      %shift_left3A_77 = vector.broadcast %shift_left3A_76 : i32 to vector<16xi32>
      %shift_left3A_78 = arith.shli %get3A_75, %shift_left3A_77 : vector<16xi32>
      %swap3A_79 = arith.index_cast %scan3A_37 : i32 to index
      %swap3A_80 = arith.constant 48 : index
      %swap3A_81 = tpu.vector_load %arg5[%swap3A_79, %swap3A_80] {strides = array<i32>} : memref<200x128xi32, #tpu.memory_space<vmem>>, vector<1x16xi32>,
      %swap3A_82 = vector.shape_cast %swap3A_81 : vector<1x16xi32> to vector<16xi32>
      %swap3A_83 = vector.shape_cast %shift_left3A_78 : vector<16xi32> to vector<1x16xi32>
      tpu.vector_store %arg5[%swap3A_79, %swap3A_80], %swap3A_83 {strides = array<i32>} : memref<200x128xi32, #tpu.memory_space<vmem>>, vector<1x16xi32>,
      %get3A_84 = arith.index_cast %scan3A_37 : i32 to index
      %get3A_85 = arith.constant 64 : index
      %get3A_86 = tpu.vector_load %arg5[%get3A_84, %get3A_85] {strides = array<i32>} : memref<200x128xi32, #tpu.memory_space<vmem>>, vector<1x16xi32>,
      %get3A_87 = vector.shape_cast %get3A_86 : vector<1x16xi32> to vector<16xi32>
      %shift_left3A_88 = arith.constant 1 : i32
      %shift_left3A_89 = vector.broadcast %shift_left3A_88 : i32 to vector<16xi32>
      %shift_left3A_90 = arith.shli %get3A_87, %shift_left3A_89 : vector<16xi32>
      %swap3A_91 = arith.index_cast %scan3A_37 : i32 to index
      %swap3A_92 = arith.constant 64 : index
      %swap3A_93 = tpu.vector_load %arg5[%swap3A_91, %swap3A_92] {strides = array<i32>} : memref<200x128xi32, #tpu.memory_space<vmem>>, vector<1x16xi32>,
      %swap3A_94 = vector.shape_cast %swap3A_93 : vector<1x16xi32> to vector<16xi32>
      %swap3A_95 = vector.shape_cast %shift_left3A_90 : vector<16xi32> to vector<1x16xi32>
      tpu.vector_store %arg5[%swap3A_91, %swap3A_92], %swap3A_95 {strides = array<i32>} : memref<200x128xi32, #tpu.memory_space<vmem>>, vector<1x16xi32>,
      %get3A_96 = arith.index_cast %scan3A_37 : i32 to index
      %get3A_97 = arith.constant 80 : index
      %get3A_98 = tpu.vector_load %arg5[%get3A_96, %get3A_97] {strides = array<i32>} : memref<200x128xi32, #tpu.memory_space<vmem>>, vector<1x16xi32>,
      %get3A_99 = vector.shape_cast %get3A_98 : vector<1x16xi32> to vector<16xi32>
      %shift_left3A_100 = arith.constant 1 : i32
      %shift_left3A_101 = vector.broadcast %shift_left3A_100 : i32 to vector<16xi32>
      %shift_left3A_102 = arith.shli %get3A_99, %shift_left3A_101 : vector<16xi32>
      %swap3A_103 = arith.index_cast %scan3A_37 : i32 to index
      %swap3A_104 = arith.constant 80 : index
      %swap3A_105 = tpu.vector_load %arg5[%swap3A_103, %swap3A_104] {strides = array<i32>} : memref<200x128xi32, #tpu.memory_space<vmem>>, vector<1x16xi32>,
      %swap3A_106 = vector.shape_cast %swap3A_105 : vector<1x16xi32> to vector<16xi32>
      %swap3A_107 = vector.shape_cast %shift_left3A_102 : vector<16xi32> to vector<1x16xi32>
      tpu.vector_store %arg5[%swap3A_103, %swap3A_104], %swap3A_107 {strides = array<i32>} : memref<200x128xi32, #tpu.memory_space<vmem>>, vector<1x16xi32>,
      %get3A_108 = arith.index_cast %scan3A_37 : i32 to index
      %get3A_109 = arith.constant 96 : index
      %get3A_110 = tpu.vector_load %arg5[%get3A_108, %get3A_109] {strides = array<i32>} : memref<200x128xi32, #tpu.memory_space<vmem>>, vector<1x16xi32>,
      %get3A_111 = vector.shape_cast %get3A_110 : vector<1x16xi32> to vector<16xi32>
      %shift_left3A_112 = arith.constant 1 : i32
      %shift_left3A_113 = vector.broadcast %shift_left3A_112 : i32 to vector<16xi32>
      %shift_left3A_114 = arith.shli %get3A_111, %shift_left3A_113 : vector<16xi32>
      %swap3A_115 = arith.index_cast %scan3A_37 : i32 to index
      %swap3A_116 = arith.constant 96 : index
      %swap3A_117 = tpu.vector_load %arg5[%swap3A_115, %swap3A_116] {strides = array<i32>} : memref<200x128xi32, #tpu.memory_space<vmem>>, vector<1x16xi32>,
      %swap3A_118 = vector.shape_cast %swap3A_117 : vector<1x16xi32> to vector<16xi32>
      %swap3A_119 = vector.shape_cast %shift_left3A_114 : vector<16xi32> to vector<1x16xi32>
      tpu.vector_store %arg5[%swap3A_115, %swap3A_116], %swap3A_119 {strides = array<i32>} : memref<200x128xi32, #tpu.memory_space<vmem>>, vector<1x16xi32>,
      %get3A_120 = arith.index_cast %scan3A_37 : i32 to index
      %get3A_121 = arith.constant 112 : index
      %get3A_122 = tpu.vector_load %arg5[%get3A_120, %get3A_121] {strides = array<i32>} : memref<200x128xi32, #tpu.memory_space<vmem>>, vector<1x16xi32>,
      %get3A_123 = vector.shape_cast %get3A_122 : vector<1x16xi32> to vector<16xi32>
      %shift_left3A_124 = arith.constant 1 : i32
      %shift_left3A_125 = vector.broadcast %shift_left3A_124 : i32 to vector<16xi32>
      %shift_left3A_126 = arith.shli %get3A_123, %shift_left3A_125 : vector<16xi32>
      %swap3A_127 = arith.index_cast %scan3A_37 : i32 to index
      %swap3A_128 = arith.constant 112 : index
      %swap3A_129 = tpu.vector_load %arg5[%swap3A_127, %swap3A_128] {strides = array<i32>} : memref<200x128xi32, #tpu.memory_space<vmem>>, vector<1x16xi32>,
      %swap3A_130 = vector.shape_cast %swap3A_129 : vector<1x16xi32> to vector<16xi32>
      %swap3A_131 = vector.shape_cast %shift_left3A_126 : vector<16xi32> to vector<1x16xi32>
      tpu.vector_store %arg5[%swap3A_127, %swap3A_128], %swap3A_131 {strides = array<i32>} : memref<200x128xi32, #tpu.memory_space<vmem>>, vector<1x16xi32>,
      %scan3A_132 = arith.constant 0 : i32
      scf.yield %scan3A_132 : i32
    }
    %scan3A_8 = arith.constant 200 : i32
    %broadcast_in_dim3A = arith.constant 0.000000e+00 : f32
    %broadcast_in_dim3A_9 = vector.broadcast %broadcast_in_dim3A : f32 to vector<16xf32>
    %scan3A_10 = arith.constant 0 : i32
    %scan3A_11 = arith.constant 0 : i32
    %scan3A_12 = arith.constant 128 : i32
    %scan3A_13 = arith.addi %scan3A_11, %scan3A_12 : i32
    %scan3A_14 = arith.constant 1 : i32
    %scan3A_15 = scf.for %scan3A_37 = %scan3A_11 to %scan3A_13 step %scan3A_14 iter_args(%scan3A_38 = %scan3A_10) -> (i32)  : i32 {
      %swap3A = arith.index_cast %scan3A_37 : i32 to index
      %swap3A_39 = arith.constant 0 : index
      %swap3A_40 = tpu.vector_load %arg8[%swap3A, %swap3A_39] {strides = array<i32>} : memref<128x64xf32, #tpu.memory_space<vmem>>, vector<1x16xf32>,
      %swap3A_41 = vector.shape_cast %swap3A_40 : vector<1x16xf32> to vector<16xf32>
      %swap3A_42 = vector.shape_cast %broadcast_in_dim3A_9 : vector<16xf32> to vector<1x16xf32>
      tpu.vector_store %arg8[%swap3A, %swap3A_39], %swap3A_42 {strides = array<i32>} : memref<128x64xf32, #tpu.memory_space<vmem>>, vector<1x16xf32>,
      %swap3A_43 = arith.index_cast %scan3A_37 : i32 to index
      %swap3A_44 = arith.constant 16 : index
      %swap3A_45 = tpu.vector_load %arg8[%swap3A_43, %swap3A_44] {strides = array<i32>} : memref<128x64xf32, #tpu.memory_space<vmem>>, vector<1x16xf32>,
      %swap3A_46 = vector.shape_cast %swap3A_45 : vector<1x16xf32> to vector<16xf32>
      %swap3A_47 = vector.shape_cast %broadcast_in_dim3A_9 : vector<16xf32> to vector<1x16xf32>
      tpu.vector_store %arg8[%swap3A_43, %swap3A_44], %swap3A_47 {strides = array<i32>} : memref<128x64xf32, #tpu.memory_space<vmem>>, vector<1x16xf32>,
      %swap3A_48 = arith.index_cast %scan3A_37 : i32 to index
      %swap3A_49 = arith.constant 32 : index
      %swap3A_50 = tpu.vector_load %arg8[%swap3A_48, %swap3A_49] {strides = array<i32>} : memref<128x64xf32, #tpu.memory_space<vmem>>, vector<1x16xf32>,
      %swap3A_51 = vector.shape_cast %swap3A_50 : vector<1x16xf32> to vector<16xf32>
      %swap3A_52 = vector.shape_cast %broadcast_in_dim3A_9 : vector<16xf32> to vector<1x16xf32>
      tpu.vector_store %arg8[%swap3A_48, %swap3A_49], %swap3A_52 {strides = array<i32>} : memref<128x64xf32, #tpu.memory_space<vmem>>, vector<1x16xf32>,
      %swap3A_53 = arith.index_cast %scan3A_37 : i32 to index
      %swap3A_54 = arith.constant 48 : index
      %swap3A_55 = tpu.vector_load %arg8[%swap3A_53, %swap3A_54] {strides = array<i32>} : memref<128x64xf32, #tpu.memory_space<vmem>>, vector<1x16xf32>,
      %swap3A_56 = vector.shape_cast %swap3A_55 : vector<1x16xf32> to vector<16xf32>
      %swap3A_57 = vector.shape_cast %broadcast_in_dim3A_9 : vector<16xf32> to vector<1x16xf32>
      tpu.vector_store %arg8[%swap3A_53, %swap3A_54], %swap3A_57 {strides = array<i32>} : memref<128x64xf32, #tpu.memory_space<vmem>>, vector<1x16xf32>,
      %scan3A_58 = arith.constant 0 : i32
      scf.yield %scan3A_58 : i32
    }
    %scan3A_16 = arith.constant 128 : i32
    %dma_start3A = arith.constant 0 : i32
    %dma_start3A_17 = arith.constant 0 : i32
    %dma_start3A_18 = tpu.memref_slice %arg5[%dma_start3A, %dma_start3A_17] : memref<200x128xi32, #tpu.memory_space<vmem>> -> memref<1x128xi32, #tpu.memory_space<vmem>>
    %dma_start3A_19 = tpu.memref_squeeze %dma_start3A_18 : memref<1x128xi32, #tpu.memory_space<vmem>> -> memref<128xi32, #tpu.memory_space<vmem>>
    %dma_start3A_20 = arith.constant 0 : i32
    %dma_start3A_21 = arith.constant 0 : i32
    %dma_start3A_22 = tpu.memref_slice %arg3[%dma_start3A_20, %dma_start3A_21] : memref<2000000x64xf32, #tpu.memory_space<hbm>> -> memref<2000000x64xf32, #tpu.memory_space<hbm>>
    tpu.enqueue_indirect_dma source(%dma_start3A_22 : memref<2000000x64xf32, #tpu.memory_space<hbm>>) target(%arg6 : memref<128x64xf32, #tpu.memory_space<vmem>>) offsets(%dma_start3A_19 : memref<128xi32, #tpu.memory_space<vmem>>) semaphore(%arg9 : memref<!tpu.dma_semaphore, #tpu.memory_space<semaphore_mem>>)
    %scan3A_23 = arith.constant 0 : i32
    %scan3A_24 = arith.constant 0 : i32
    %scan3A_25 = arith.constant 100 : i32
    %scan3A_26 = arith.addi %scan3A_24, %scan3A_25 : i32
    %scan3A_27 = arith.constant 1 : i32
    %scan3A_28 = scf.for %scan3A_37 = %scan3A_24 to %scan3A_26 step %scan3A_27 iter_args(%scan3A_38 = %scan3A_23) -> (i32)  : i32 {
      %mul3A_39 = arith.constant 2 : i32
      %mul3A_40 = arith.muli %mul3A_39, %scan3A_37 : i32
      %add3A_41 = arith.constant 1 : i32
      %add3A_42 = arith.addi %mul3A_40, %add3A_41 : i32
      %dma_start3A_43 = arith.constant 0 : i32
      %dma_start3A_44 = tpu.memref_slice %arg5[%add3A_42, %dma_start3A_43] : memref<200x128xi32, #tpu.memory_space<vmem>> -> memref<1x128xi32, #tpu.memory_space<vmem>>
      %dma_start3A_45 = tpu.memref_squeeze %dma_start3A_44 : memref<1x128xi32, #tpu.memory_space<vmem>> -> memref<128xi32, #tpu.memory_space<vmem>>
      %dma_start3A_46 = arith.constant 0 : i32
      %dma_start3A_47 = arith.constant 0 : i32
      %dma_start3A_48 = tpu.memref_slice %arg3[%dma_start3A_46, %dma_start3A_47] : memref<2000000x64xf32, #tpu.memory_space<hbm>> -> memref<2000000x64xf32, #tpu.memory_space<hbm>>
      tpu.enqueue_indirect_dma source(%dma_start3A_48 : memref<2000000x64xf32, #tpu.memory_space<hbm>>) target(%arg7 : memref<128x64xf32, #tpu.memory_space<vmem>>) offsets(%dma_start3A_45 : memref<128xi32, #tpu.memory_space<vmem>>) semaphore(%arg10 : memref<!tpu.dma_semaphore, #tpu.memory_space<semaphore_mem>>)
      %dma_wait3A = arith.constant 0 : i32
      %dma_wait3A_49 = arith.constant 0 : i32
      %dma_wait3A_50 = tpu.memref_slice %arg3[%dma_wait3A, %dma_wait3A_49] : memref<2000000x64xf32, #tpu.memory_space<hbm>> -> memref<128x64xf32, #tpu.memory_space<hbm>>
      %dma_wait3A_51 = arith.constant 0 : i32
      %dma_wait3A_52 = arith.constant 0 : i32
      %dma_wait3A_53 = tpu.memref_slice %arg3[%dma_wait3A_51, %dma_wait3A_52] : memref<2000000x64xf32, #tpu.memory_space<hbm>> -> memref<128x64xf32, #tpu.memory_space<hbm>>
      tpu.wait_dma2 semaphore(%arg9 : memref<!tpu.dma_semaphore, #tpu.memory_space<semaphore_mem>>) src(%dma_wait3A_53 : memref<128x64xf32, #tpu.memory_space<hbm>>) dst(%arg6 : memref<128x64xf32, #tpu.memory_space<vmem>>)
      %scan3A_54 = arith.constant 0 : i32
      %scan3A_55 = arith.constant 0 : i32
      %scan3A_56 = arith.constant 128 : i32
      %scan3A_57 = arith.addi %scan3A_55, %scan3A_56 : i32
      %scan3A_58 = arith.constant 1 : i32
      %scan3A_59 = scf.for %scan3A_77 = %scan3A_55 to %scan3A_57 step %scan3A_58 iter_args(%scan3A_78 = %scan3A_54) -> (i32)  : i32 {
        %get3A = arith.index_cast %scan3A_77 : i32 to index
        %get3A_79 = arith.constant 0 : index
        %get3A_80 = tpu.vector_load %arg6[%get3A, %get3A_79] {strides = array<i32>} : memref<128x64xf32, #tpu.memory_space<vmem>>, vector<1x16xf32>,
        %get3A_81 = vector.shape_cast %get3A_80 : vector<1x16xf32> to vector<16xf32>
        %swap3A = arith.index_cast %scan3A_77 : i32 to index
        %swap3A_82 = arith.constant 0 : index
        %swap3A_83 = tpu.vector_load %arg8[%swap3A, %swap3A_82] {strides = array<i32>} : memref<128x64xf32, #tpu.memory_space<vmem>>, vector<1x16xf32>,
        %swap3A_84 = vector.shape_cast %swap3A_83 : vector<1x16xf32> to vector<16xf32>
        %swap3A_85 = vector.shape_cast %get3A_81 : vector<16xf32> to vector<1x16xf32>
        tpu.vector_store %arg8[%swap3A, %swap3A_82], %swap3A_85 {add = true, strides = array<i32>} : memref<128x64xf32, #tpu.memory_space<vmem>>, vector<1x16xf32>,
        %get3A_86 = arith.index_cast %scan3A_77 : i32 to index
        %get3A_87 = arith.constant 16 : index
        %get3A_88 = tpu.vector_load %arg6[%get3A_86, %get3A_87] {strides = array<i32>} : memref<128x64xf32, #tpu.memory_space<vmem>>, vector<1x16xf32>,
        %get3A_89 = vector.shape_cast %get3A_88 : vector<1x16xf32> to vector<16xf32>
        %swap3A_90 = arith.index_cast %scan3A_77 : i32 to index
        %swap3A_91 = arith.constant 16 : index
        %swap3A_92 = tpu.vector_load %arg8[%swap3A_90, %swap3A_91] {strides = array<i32>} : memref<128x64xf32, #tpu.memory_space<vmem>>, vector<1x16xf32>,
        %swap3A_93 = vector.shape_cast %swap3A_92 : vector<1x16xf32> to vector<16xf32>
        %swap3A_94 = vector.shape_cast %get3A_89 : vector<16xf32> to vector<1x16xf32>
        tpu.vector_store %arg8[%swap3A_90, %swap3A_91], %swap3A_94 {add = true, strides = array<i32>} : memref<128x64xf32, #tpu.memory_space<vmem>>, vector<1x16xf32>,
        %get3A_95 = arith.index_cast %scan3A_77 : i32 to index
        %get3A_96 = arith.constant 32 : index
        %get3A_97 = tpu.vector_load %arg6[%get3A_95, %get3A_96] {strides = array<i32>} : memref<128x64xf32, #tpu.memory_space<vmem>>, vector<1x16xf32>,
        %get3A_98 = vector.shape_cast %get3A_97 : vector<1x16xf32> to vector<16xf32>
        %swap3A_99 = arith.index_cast %scan3A_77 : i32 to index
        %swap3A_100 = arith.constant 32 : index
        %swap3A_101 = tpu.vector_load %arg8[%swap3A_99, %swap3A_100] {strides = array<i32>} : memref<128x64xf32, #tpu.memory_space<vmem>>, vector<1x16xf32>,
        %swap3A_102 = vector.shape_cast %swap3A_101 : vector<1x16xf32> to vector<16xf32>
        %swap3A_103 = vector.shape_cast %get3A_98 : vector<16xf32> to vector<1x16xf32>
        tpu.vector_store %arg8[%swap3A_99, %swap3A_100], %swap3A_103 {add = true, strides = array<i32>} : memref<128x64xf32, #tpu.memory_space<vmem>>, vector<1x16xf32>,
        %get3A_104 = arith.index_cast %scan3A_77 : i32 to index
        %get3A_105 = arith.constant 48 : index
        %get3A_106 = tpu.vector_load %arg6[%get3A_104, %get3A_105] {strides = array<i32>} : memref<128x64xf32, #tpu.memory_space<vmem>>, vector<1x16xf32>,
        %get3A_107 = vector.shape_cast %get3A_106 : vector<1x16xf32> to vector<16xf32>
        %swap3A_108 = arith.index_cast %scan3A_77 : i32 to index
        %swap3A_109 = arith.constant 48 : index
        %swap3A_110 = tpu.vector_load %arg8[%swap3A_108, %swap3A_109] {strides = array<i32>} : memref<128x64xf32, #tpu.memory_space<vmem>>, vector<1x16xf32>,
        %swap3A_111 = vector.shape_cast %swap3A_110 : vector<1x16xf32> to vector<16xf32>
        %swap3A_112 = vector.shape_cast %get3A_107 : vector<16xf32> to vector<1x16xf32>
        tpu.vector_store %arg8[%swap3A_108, %swap3A_109], %swap3A_112 {add = true, strides = array<i32>} : memref<128x64xf32, #tpu.memory_space<vmem>>, vector<1x16xf32>,
        %scan3A_113 = arith.constant 0 : i32
        scf.yield %scan3A_113 : i32
      }
      %scan3A_60 = arith.constant 128 : i32
      %lt3A = arith.constant 99 : i32
      %lt3A_61 = arith.cmpi slt, %scan3A_37, %lt3A : i32
      %convert_element_type3A = arith.extui %lt3A_61 : i1 to i32
      %cond3A = arith.constant 0 : i32
      %cond3A_62 = arith.cmpi ne, %convert_element_type3A, %cond3A : i32
      scf.if %cond3A_62 {
        %mul3A_77 = arith.constant 2 : i32
        %mul3A_78 = arith.muli %mul3A_77, %scan3A_37 : i32
        %add3A_79 = arith.constant 2 : i32
        %add3A_80 = arith.addi %mul3A_78, %add3A_79 : i32
        %dma_start3A_81 = arith.constant 0 : i32
        %dma_start3A_82 = tpu.memref_slice %arg5[%add3A_80, %dma_start3A_81] : memref<200x128xi32, #tpu.memory_space<vmem>> -> memref<1x128xi32, #tpu.memory_space<vmem>>
        %dma_start3A_83 = tpu.memref_squeeze %dma_start3A_82 : memref<1x128xi32, #tpu.memory_space<vmem>> -> memref<128xi32, #tpu.memory_space<vmem>>
        %dma_start3A_84 = arith.constant 0 : i32
        %dma_start3A_85 = arith.constant 0 : i32
        %dma_start3A_86 = tpu.memref_slice %arg3[%dma_start3A_84, %dma_start3A_85] : memref<2000000x64xf32, #tpu.memory_space<hbm>> -> memref<2000000x64xf32, #tpu.memory_space<hbm>>
        tpu.enqueue_indirect_dma source(%dma_start3A_86 : memref<2000000x64xf32, #tpu.memory_space<hbm>>) target(%arg6 : memref<128x64xf32, #tpu.memory_space<vmem>>) offsets(%dma_start3A_83 : memref<128xi32, #tpu.memory_space<vmem>>) semaphore(%arg9 : memref<!tpu.dma_semaphore, #tpu.memory_space<semaphore_mem>>)
      } else {
      }
      %dma_wait3A_63 = arith.constant 0 : i32
      %dma_wait3A_64 = arith.constant 0 : i32
      %dma_wait3A_65 = tpu.memref_slice %arg3[%dma_wait3A_63, %dma_wait3A_64] : memref<2000000x64xf32, #tpu.memory_space<hbm>> -> memref<128x64xf32, #tpu.memory_space<hbm>>
      %dma_wait3A_66 = arith.constant 0 : i32
      %dma_wait3A_67 = arith.constant 0 : i32
      %dma_wait3A_68 = tpu.memref_slice %arg3[%dma_wait3A_66, %dma_wait3A_67] : memref<2000000x64xf32, #tpu.memory_space<hbm>> -> memref<128x64xf32, #tpu.memory_space<hbm>>
      tpu.wait_dma2 semaphore(%arg10 : memref<!tpu.dma_semaphore, #tpu.memory_space<semaphore_mem>>) src(%dma_wait3A_68 : memref<128x64xf32, #tpu.memory_space<hbm>>) dst(%arg7 : memref<128x64xf32, #tpu.memory_space<vmem>>)
      %scan3A_69 = arith.constant 0 : i32
      %scan3A_70 = arith.constant 0 : i32
      %scan3A_71 = arith.constant 128 : i32
      %scan3A_72 = arith.addi %scan3A_70, %scan3A_71 : i32
      %scan3A_73 = arith.constant 1 : i32
      %scan3A_74 = scf.for %scan3A_77 = %scan3A_70 to %scan3A_72 step %scan3A_73 iter_args(%scan3A_78 = %scan3A_69) -> (i32)  : i32 {
        %get3A = arith.index_cast %scan3A_77 : i32 to index
        %get3A_79 = arith.constant 0 : index
        %get3A_80 = tpu.vector_load %arg7[%get3A, %get3A_79] {strides = array<i32>} : memref<128x64xf32, #tpu.memory_space<vmem>>, vector<1x16xf32>,
        %get3A_81 = vector.shape_cast %get3A_80 : vector<1x16xf32> to vector<16xf32>
        %swap3A = arith.index_cast %scan3A_77 : i32 to index
        %swap3A_82 = arith.constant 0 : index
        %swap3A_83 = tpu.vector_load %arg8[%swap3A, %swap3A_82] {strides = array<i32>} : memref<128x64xf32, #tpu.memory_space<vmem>>, vector<1x16xf32>,
        %swap3A_84 = vector.shape_cast %swap3A_83 : vector<1x16xf32> to vector<16xf32>
        %swap3A_85 = vector.shape_cast %get3A_81 : vector<16xf32> to vector<1x16xf32>
        tpu.vector_store %arg8[%swap3A, %swap3A_82], %swap3A_85 {add = true, strides = array<i32>} : memref<128x64xf32, #tpu.memory_space<vmem>>, vector<1x16xf32>,
        %get3A_86 = arith.index_cast %scan3A_77 : i32 to index
        %get3A_87 = arith.constant 16 : index
        %get3A_88 = tpu.vector_load %arg7[%get3A_86, %get3A_87] {strides = array<i32>} : memref<128x64xf32, #tpu.memory_space<vmem>>, vector<1x16xf32>,
        %get3A_89 = vector.shape_cast %get3A_88 : vector<1x16xf32> to vector<16xf32>
        %swap3A_90 = arith.index_cast %scan3A_77 : i32 to index
        %swap3A_91 = arith.constant 16 : index
        %swap3A_92 = tpu.vector_load %arg8[%swap3A_90, %swap3A_91] {strides = array<i32>} : memref<128x64xf32, #tpu.memory_space<vmem>>, vector<1x16xf32>,
        %swap3A_93 = vector.shape_cast %swap3A_92 : vector<1x16xf32> to vector<16xf32>
        %swap3A_94 = vector.shape_cast %get3A_89 : vector<16xf32> to vector<1x16xf32>
        tpu.vector_store %arg8[%swap3A_90, %swap3A_91], %swap3A_94 {add = true, strides = array<i32>} : memref<128x64xf32, #tpu.memory_space<vmem>>, vector<1x16xf32>,
        %get3A_95 = arith.index_cast %scan3A_77 : i32 to index
        %get3A_96 = arith.constant 32 : index
        %get3A_97 = tpu.vector_load %arg7[%get3A_95, %get3A_96] {strides = array<i32>} : memref<128x64xf32, #tpu.memory_space<vmem>>, vector<1x16xf32>,
        %get3A_98 = vector.shape_cast %get3A_97 : vector<1x16xf32> to vector<16xf32>
        %swap3A_99 = arith.index_cast %scan3A_77 : i32 to index
        %swap3A_100 = arith.constant 32 : index
        %swap3A_101 = tpu.vector_load %arg8[%swap3A_99, %swap3A_100] {strides = array<i32>} : memref<128x64xf32, #tpu.memory_space<vmem>>, vector<1x16xf32>,
        %swap3A_102 = vector.shape_cast %swap3A_101 : vector<1x16xf32> to vector<16xf32>
        %swap3A_103 = vector.shape_cast %get3A_98 : vector<16xf32> to vector<1x16xf32>
        tpu.vector_store %arg8[%swap3A_99, %swap3A_100], %swap3A_103 {add = true, strides = array<i32>} : memref<128x64xf32, #tpu.memory_space<vmem>>, vector<1x16xf32>,
        %get3A_104 = arith.index_cast %scan3A_77 : i32 to index
        %get3A_105 = arith.constant 48 : index
        %get3A_106 = tpu.vector_load %arg7[%get3A_104, %get3A_105] {strides = array<i32>} : memref<128x64xf32, #tpu.memory_space<vmem>>, vector<1x16xf32>,
        %get3A_107 = vector.shape_cast %get3A_106 : vector<1x16xf32> to vector<16xf32>
        %swap3A_108 = arith.index_cast %scan3A_77 : i32 to index
        %swap3A_109 = arith.constant 48 : index
        %swap3A_110 = tpu.vector_load %arg8[%swap3A_108, %swap3A_109] {strides = array<i32>} : memref<128x64xf32, #tpu.memory_space<vmem>>, vector<1x16xf32>,
        %swap3A_111 = vector.shape_cast %swap3A_110 : vector<1x16xf32> to vector<16xf32>
        %swap3A_112 = vector.shape_cast %get3A_107 : vector<16xf32> to vector<1x16xf32>
        tpu.vector_store %arg8[%swap3A_108, %swap3A_109], %swap3A_112 {add = true, strides = array<i32>} : memref<128x64xf32, #tpu.memory_space<vmem>>, vector<1x16xf32>,
        %scan3A_113 = arith.constant 0 : i32
        scf.yield %scan3A_113 : i32
      }
      %scan3A_75 = arith.constant 128 : i32
      %scan3A_76 = arith.constant 0 : i32
      scf.yield %scan3A_76 : i32
    }
    %scan3A_29 = arith.constant 100 : i32
    %scan3A_30 = arith.constant 0 : i32
    %scan3A_31 = arith.constant 0 : i32
    %scan3A_32 = arith.constant 128 : i32
    %scan3A_33 = arith.addi %scan3A_31, %scan3A_32 : i32
    %scan3A_34 = arith.constant 1 : i32
    %scan3A_35 = scf.for %scan3A_37 = %scan3A_31 to %scan3A_33 step %scan3A_34 iter_args(%scan3A_38 = %scan3A_30) -> (i32)  : i32 {
      %get3A = arith.index_cast %scan3A_37 : i32 to index
      %get3A_39 = arith.constant 0 : index
      %get3A_40 = tpu.vector_load %arg8[%get3A, %get3A_39] {strides = array<i32>} : memref<128x64xf32, #tpu.memory_space<vmem>>, vector<1x16xf32>,
      %get3A_41 = vector.shape_cast %get3A_40 : vector<1x16xf32> to vector<16xf32>
      %mul3A_42 = arith.constant 5.000000e-03 : f32
      %mul3A_43 = vector.broadcast %mul3A_42 : f32 to vector<16xf32>
      %mul3A_44 = arith.mulf %get3A_41, %mul3A_43 : vector<16xf32>
      %swap3A = arith.index_cast %scan3A_37 : i32 to index
      %swap3A_45 = arith.constant 0 : index
      %swap3A_46 = tpu.vector_load %arg8[%swap3A, %swap3A_45] {strides = array<i32>} : memref<128x64xf32, #tpu.memory_space<vmem>>, vector<1x16xf32>,
      %swap3A_47 = vector.shape_cast %swap3A_46 : vector<1x16xf32> to vector<16xf32>
      %swap3A_48 = vector.shape_cast %mul3A_44 : vector<16xf32> to vector<1x16xf32>
      tpu.vector_store %arg8[%swap3A, %swap3A_45], %swap3A_48 {strides = array<i32>} : memref<128x64xf32, #tpu.memory_space<vmem>>, vector<1x16xf32>,
      %get3A_49 = arith.index_cast %scan3A_37 : i32 to index
      %get3A_50 = arith.constant 16 : index
      %get3A_51 = tpu.vector_load %arg8[%get3A_49, %get3A_50] {strides = array<i32>} : memref<128x64xf32, #tpu.memory_space<vmem>>, vector<1x16xf32>,
      %get3A_52 = vector.shape_cast %get3A_51 : vector<1x16xf32> to vector<16xf32>
      %mul3A_53 = arith.constant 5.000000e-03 : f32
      %mul3A_54 = vector.broadcast %mul3A_53 : f32 to vector<16xf32>
      %mul3A_55 = arith.mulf %get3A_52, %mul3A_54 : vector<16xf32>
      %swap3A_56 = arith.index_cast %scan3A_37 : i32 to index
      %swap3A_57 = arith.constant 16 : index
      %swap3A_58 = tpu.vector_load %arg8[%swap3A_56, %swap3A_57] {strides = array<i32>} : memref<128x64xf32, #tpu.memory_space<vmem>>, vector<1x16xf32>,
      %swap3A_59 = vector.shape_cast %swap3A_58 : vector<1x16xf32> to vector<16xf32>
      %swap3A_60 = vector.shape_cast %mul3A_55 : vector<16xf32> to vector<1x16xf32>
      tpu.vector_store %arg8[%swap3A_56, %swap3A_57], %swap3A_60 {strides = array<i32>} : memref<128x64xf32, #tpu.memory_space<vmem>>, vector<1x16xf32>,
      %get3A_61 = arith.index_cast %scan3A_37 : i32 to index
      %get3A_62 = arith.constant 32 : index
      %get3A_63 = tpu.vector_load %arg8[%get3A_61, %get3A_62] {strides = array<i32>} : memref<128x64xf32, #tpu.memory_space<vmem>>, vector<1x16xf32>,
      %get3A_64 = vector.shape_cast %get3A_63 : vector<1x16xf32> to vector<16xf32>
      %mul3A_65 = arith.constant 5.000000e-03 : f32
      %mul3A_66 = vector.broadcast %mul3A_65 : f32 to vector<16xf32>
      %mul3A_67 = arith.mulf %get3A_64, %mul3A_66 : vector<16xf32>
      %swap3A_68 = arith.index_cast %scan3A_37 : i32 to index
      %swap3A_69 = arith.constant 32 : index
      %swap3A_70 = tpu.vector_load %arg8[%swap3A_68, %swap3A_69] {strides = array<i32>} : memref<128x64xf32, #tpu.memory_space<vmem>>, vector<1x16xf32>,
      %swap3A_71 = vector.shape_cast %swap3A_70 : vector<1x16xf32> to vector<16xf32>
      %swap3A_72 = vector.shape_cast %mul3A_67 : vector<16xf32> to vector<1x16xf32>
      tpu.vector_store %arg8[%swap3A_68, %swap3A_69], %swap3A_72 {strides = array<i32>} : memref<128x64xf32, #tpu.memory_space<vmem>>, vector<1x16xf32>,
      %get3A_73 = arith.index_cast %scan3A_37 : i32 to index
      %get3A_74 = arith.constant 48 : index
      %get3A_75 = tpu.vector_load %arg8[%get3A_73, %get3A_74] {strides = array<i32>} : memref<128x64xf32, #tpu.memory_space<vmem>>, vector<1x16xf32>,
      %get3A_76 = vector.shape_cast %get3A_75 : vector<1x16xf32> to vector<16xf32>
      %mul3A_77 = arith.constant 5.000000e-03 : f32
      %mul3A_78 = vector.broadcast %mul3A_77 : f32 to vector<16xf32>
      %mul3A_79 = arith.mulf %get3A_76, %mul3A_78 : vector<16xf32>
      %swap3A_80 = arith.index_cast %scan3A_37 : i32 to index
      %swap3A_81 = arith.constant 48 : index
      %swap3A_82 = tpu.vector_load %arg8[%swap3A_80, %swap3A_81] {strides = array<i32>} : memref<128x64xf32, #tpu.memory_space<vmem>>, vector<1x16xf32>,
      %swap3A_83 = vector.shape_cast %swap3A_82 : vector<1x16xf32> to vector<16xf32>
      %swap3A_84 = vector.shape_cast %mul3A_79 : vector<16xf32> to vector<1x16xf32>
      tpu.vector_store %arg8[%swap3A_80, %swap3A_81], %swap3A_84 {strides = array<i32>} : memref<128x64xf32, #tpu.memory_space<vmem>>, vector<1x16xf32>,
      %scan3A_85 = arith.constant 0 : i32
      scf.yield %scan3A_85 : i32
    }
    %scan3A_36 = arith.constant 128 : i32
    "tpu.region"() ({
      %run_scoped3A = tpu.sem_alloc : memref<!tpu.dma_semaphore, #tpu.memory_space<semaphore_mem>>
      %dma_start3A_37 = arith.constant 0 : i32
      %dma_start3A_38 = tpu.memref_slice %arg4[%mul3A_2, %dma_start3A_37] : memref<4096x64xf32, #tpu.memory_space<hbm>> -> memref<128x64xf32, #tpu.memory_space<hbm>>
      %dma_start3A_39 = arith.constant 0 : i32
      %dma_start3A_40 = tpu.memref_slice %arg4[%mul3A_2, %dma_start3A_39] : memref<4096x64xf32, #tpu.memory_space<hbm>> -> memref<128x64xf32, #tpu.memory_space<hbm>>
      tpu.enqueue_dma source(%arg8 : memref<128x64xf32, #tpu.memory_space<vmem>>) target(%dma_start3A_40 : memref<128x64xf32, #tpu.memory_space<hbm>>) target_semaphore(%run_scoped3A : memref<!tpu.dma_semaphore, #tpu.memory_space<semaphore_mem>>)
      %dma_wait3A = arith.constant 0 : i32
      %dma_wait3A_41 = tpu.memref_slice %arg4[%mul3A_2, %dma_wait3A] : memref<4096x64xf32, #tpu.memory_space<hbm>> -> memref<128x64xf32, #tpu.memory_space<hbm>>
      %dma_wait3A_42 = arith.constant 0 : i32
      %dma_wait3A_43 = tpu.memref_slice %arg4[%mul3A_2, %dma_wait3A_42] : memref<4096x64xf32, #tpu.memory_space<hbm>> -> memref<128x64xf32, #tpu.memory_space<hbm>>
      tpu.wait_dma2 semaphore(%run_scoped3A : memref<!tpu.dma_semaphore, #tpu.memory_space<semaphore_mem>>) src(%arg8 : memref<128x64xf32, #tpu.memory_space<vmem>>) dst(%dma_wait3A_43 : memref<128x64xf32, #tpu.memory_space<hbm>>)
      tpu.yield
    }) : () -> ()
    return
  }
}

module attributes {stable_mosaic.version = 14 : i64} {
  func.func @_mlp_body(%arg0: memref<4096x64xf32, #tpu.memory_space<vmem>>, %arg1: memref<64x256xf32, #tpu.memory_space<vmem>>, %arg2: memref<256xf32, #tpu.memory_space<vmem>>, %arg3: memref<256x64xf32, #tpu.memory_space<vmem>>, %arg4: memref<64xf32, #tpu.memory_space<vmem>>, %arg5: memref<64x5xf32, #tpu.memory_space<vmem>>, %arg6: memref<5xf32, #tpu.memory_space<vmem>>, %arg7: memref<4096x5xf32, #tpu.memory_space<vmem>>) attributes {dimension_semantics = [], scalar_prefetch = 0 : i64, scratch_operands = 0 : i64, tpu.core_type = #tpu.core_type<tc>} {
    %get3A = arith.constant 0 : index
    %get3A_0 = arith.constant 0 : index
    %get3A_1 = vector.load %arg0[%get3A, %get3A_0] : memref<4096x64xf32, #tpu.memory_space<vmem>>, vector<4096x64xf32>
    %get3A_2 = arith.constant 0 : index
    %get3A_3 = arith.constant 0 : index
    %get3A_4 = vector.load %arg1[%get3A_2, %get3A_3] : memref<64x256xf32, #tpu.memory_space<vmem>>, vector<64x256xf32>
    %dot_general3A = arith.constant dense<0.000000e+00> : vector<4096x256xf32>
    %dot_general3A_5 = tpu.matmul %get3A_1, %get3A_4, %dot_general3A {dimension_numbers = #tpu.dot_dimension_numbers<[1], [0], [0], [1], [0, 0, 1, 1], [], []>, transpose_lhs_hint = false} : vector<4096x64xf32>, vector<64x256xf32>, vector<4096x256xf32> -> vector<4096x256xf32>
    %get3A_6 = arith.constant 0 : index
    %get3A_7 = vector.load %arg2[%get3A_6] : memref<256xf32, #tpu.memory_space<vmem>>, vector<256xf32>
    %broadcast_in_dim3A = vector.shape_cast %get3A_7 : vector<256xf32> to vector<1x256xf32>
    %add3A = vector.broadcast %broadcast_in_dim3A : vector<1x256xf32> to vector<4096x256xf32>
    %add3A_8 = arith.addf %dot_general3A_5, %add3A : vector<4096x256xf32>
    %max3A = arith.constant 0.000000e+00 : f32
    %max3A_9 = vector.broadcast %max3A : f32 to vector<4096x256xf32>
    %max3A_10 = arith.maximumf %add3A_8, %max3A_9 : vector<4096x256xf32>
    %get3A_11 = arith.constant 0 : index
    %get3A_12 = arith.constant 0 : index
    %get3A_13 = vector.load %arg3[%get3A_11, %get3A_12] : memref<256x64xf32, #tpu.memory_space<vmem>>, vector<256x64xf32>
    %dot_general3A_14 = arith.constant dense<0.000000e+00> : vector<4096x64xf32>
    %dot_general3A_15 = tpu.matmul %max3A_10, %get3A_13, %dot_general3A_14 {dimension_numbers = #tpu.dot_dimension_numbers<[1], [0], [0], [1], [0, 0, 1, 1], [], []>, transpose_lhs_hint = false} : vector<4096x256xf32>, vector<256x64xf32>, vector<4096x64xf32> -> vector<4096x64xf32>
    %get3A_16 = arith.constant 0 : index
    %get3A_17 = vector.load %arg4[%get3A_16] : memref<64xf32, #tpu.memory_space<vmem>>, vector<64xf32>
    %broadcast_in_dim3A_18 = vector.shape_cast %get3A_17 : vector<64xf32> to vector<1x64xf32>
    %add3A_19 = vector.broadcast %broadcast_in_dim3A_18 : vector<1x64xf32> to vector<4096x64xf32>
    %add3A_20 = arith.addf %dot_general3A_15, %add3A_19 : vector<4096x64xf32>
    %max3A_21 = arith.constant 0.000000e+00 : f32
    %max3A_22 = vector.broadcast %max3A_21 : f32 to vector<4096x64xf32>
    %max3A_23 = arith.maximumf %add3A_20, %max3A_22 : vector<4096x64xf32>
    %get3A_24 = arith.constant 0 : index
    %get3A_25 = arith.constant 0 : index
    %get3A_26 = vector.load %arg5[%get3A_24, %get3A_25] : memref<64x5xf32, #tpu.memory_space<vmem>>, vector<64x5xf32>
    %dot_general3A_27 = arith.constant dense<0.000000e+00> : vector<4096x5xf32>
    %dot_general3A_28 = tpu.matmul %max3A_23, %get3A_26, %dot_general3A_27 {dimension_numbers = #tpu.dot_dimension_numbers<[1], [0], [0], [1], [0, 0, 1, 1], [], []>, transpose_lhs_hint = false} : vector<4096x64xf32>, vector<64x5xf32>, vector<4096x5xf32> -> vector<4096x5xf32>
    %get3A_29 = arith.constant 0 : index
    %get3A_30 = vector.load %arg6[%get3A_29] : memref<5xf32, #tpu.memory_space<vmem>>, vector<5xf32>
    %broadcast_in_dim3A_31 = vector.shape_cast %get3A_30 : vector<5xf32> to vector<1x5xf32>
    %add3A_32 = vector.broadcast %broadcast_in_dim3A_31 : vector<1x5xf32> to vector<4096x5xf32>
    %add3A_33 = arith.addf %dot_general3A_28, %add3A_32 : vector<4096x5xf32>
    %reduce_max3A = arith.constant dense<0xFF800000> : vector<4096xf32>
    %reduce_max3A_34 = vector.multi_reduction <maximumf>, %add3A_33, %reduce_max3A [1] : vector<4096x5xf32> to vector<4096xf32>
    %broadcast_in_dim3A_35 = vector.shape_cast %reduce_max3A_34 : vector<4096xf32> to vector<4096x1xf32>
    %sub3A = vector.broadcast %broadcast_in_dim3A_35 : vector<4096x1xf32> to vector<4096x5xf32>
    %sub3A_36 = arith.subf %add3A_33, %sub3A : vector<4096x5xf32>
    %exp3A = math.exp %sub3A_36 : vector<4096x5xf32>
    %reduce_sum3A = arith.constant dense<0.000000e+00> : vector<4096xf32>
    %reduce_sum3A_37 = vector.multi_reduction <add>, %exp3A, %reduce_sum3A [1] : vector<4096x5xf32> to vector<4096xf32>
    %broadcast_in_dim3A_38 = vector.shape_cast %reduce_sum3A_37 : vector<4096xf32> to vector<4096x1xf32>
    %log3A = math.log %broadcast_in_dim3A_38 : vector<4096x1xf32>
    %sub3A_39 = vector.broadcast %log3A : vector<4096x1xf32> to vector<4096x5xf32>
    %sub3A_40 = arith.subf %sub3A_36, %sub3A_39 : vector<4096x5xf32>
    %swap3A = arith.constant 0 : index
    %swap3A_41 = arith.constant 0 : index
    %swap3A_42 = vector.load %arg7[%swap3A, %swap3A_41] : memref<4096x5xf32, #tpu.memory_space<vmem>>, vector<4096x5xf32>
    tpu.vector_store %arg7[%swap3A, %swap3A_41], %sub3A_40 {strides = array<i32>} : memref<4096x5xf32, #tpu.memory_space<vmem>>, vector<4096x5xf32>,
    return
  }
}

</mosaic_0001>

<sc_bundles>
// kernel: kernel.4.cloned.1.call-start
scs
__scs_entry_jumppad:
0x0: {  	(pc) =	sbr.rel $0x88, $3  }
0x1: {  	(tag) =	ssettag $0x0;
	lr =	simm.s32 $0x1  }
0x2: {  	[smem:$0x3F99] =	sst lr;
	_ =	strace $0xD0000000  }
0x3: {  	_ = 	snop  }
0x4: {  	_ = 	snop  }
0x5: {  	_ = 	snop  }
0x6: {  	_ = 	snop  }
0x7: {  	_ = 	snop  }
__scs_overlays_trampoline_lowered:
0x8: {  	[smem:$0x3FA8] =	sst s0  }
0x9: {  	[smem:$0x3FA9] =	sst s1  }
0xa: {  	[smem:$0x3FAA] =	sst s2  }
0xb: {  	[smem:$0x3FAB] =	sst s3  }
0xc: {  	[smem:$0x3FAC] =	sst s4  }
0xd: {  	[smem:$0x3FAD] =	sst s5  }
0xe: {  	[smem:$0x3FAE] =	sst s6  }
0xf: {  	[smem:$0x3FAF] =	sst s7  }
0x10: {  	[smem:$0x3FB0] =	sst s8  }
0x11: {  	[smem:$0x3FB1] =	sst s9;
	s0 =	simm.s32 @!p0 $0x0  }
0x12: {  	s1 =	sld [smem:$0x3F97];
	s0 =	simm.s32 @p0 $0x1  }
0x13: {  	[smem:$0x3FB2] =	sst s0;
	s0 =	simm.s32 @!p1 $0x0  }
0x14: {  	s2 =	sld [smem:$0x3F96];
	s0 =	simm.s32 @p1 $0x1  }
0x15: {  	[smem:$0x3FB3] =	sst s0;
	s0 =	simm.s32 @!p2 $0x0  }
0x16: {  	s3 =	sld [smem:$0x3FDB];
	s0 =	simm.s32 @p2 $0x1  }
0x17: {  	s4 =	simm.s32 $0x1BF5;
	[smem:$0x3FB5] =	sst s0  }
0x18: {  	s0 =	sld [smem:$0x3F98];
	_ =	swait.ge [sflag:s4], $0x0  }
0x19: {  	s7 =	sld [smem:$0x3F99]  }
0x1a: {  	s8 =	sadd.s32 $0xFFFFE003, lr  }
0x1b: {  	s9 =	sadd.s32 $0xFFFFFEF7, lr;
	s5 =	simm.s32 $0xFFFFFFFF;
	p2 =	slt.u32 s8, $0xFFFFF086  }
0x1c: {  	p1 =	slt.u32 s9, $0xF7A;
	s5 =	simm.s32 @!p2 $0x0  }
0x1d: {  	s5 =	simm.s32 @p1 $0x1;
	p0 =	seq.s32 s7, s2  }
0x1e: {  	s7 =	smul.u32 @!p0 $0xF7A, s2;
	p2 =	seq.s32 @!p0 s5, $0x0  }
0x1f: {  	s9 =	smul.u32 $0xF7A, s1;
	s8 =	simm.s32 @!p0 $0x1BF5;
	p2 =	por !p2, p0  }
0x20: {  	[sflag:s8] =	ssyncset.s32 @!p0 $0xFFFFF086;
	s6 =	sadd.s32 @!p0 s3, s7;
	s7 =	simm.s32 @!p0 $0x108  }
0x21: {  	s3 =	sadd.s32 s3, s9;
	s6 =	sadd.s32 @!p0 $0x88, s6;
	s7 =	simm.s32 @p2 $0x1082  }
0x22: {  	[simem:s7], [sflag:s8] =	dma.local @!p0 [hbm:s6], $0xF7A  }
0x23: {  	s9 =	sor.u32 $0xD0000000, s2;
	s6 =	simm.s32 $0x108;
	_ =	swait.ge @!p0 [sflag:s8], $0x0  }
0x24: {  	s3 =	sadd.s32 $0x88, s3;
	s6 =	simm.s32 @!p1 $0x1082;
	[sflag:s4] =	ssyncset.s32 $0xFFFFF086  }
0x25: {  	[simem:s6], [sflag:s4] =	dma.local [hbm:s3], $0xF7A  }
0x26: {  	[smem:$0x3F99] =	sst s1;
	(tag) =	ssettag s2;
	_ =	strace s9  }
0x27: {  	s1 =	sld [smem:$0x3FA9]  }
0x28: {  	s2 =	sld [smem:$0x3FAA]  }
0x29: {  	s4 =	sld [smem:$0x3FAC]  }
0x2a: {  	p0 =	seq.s32 s5, $0x0;
	s5 =	sld [smem:$0x3FAD]  }
0x2b: {  	s6 =	sld [smem:$0x3FAE]  }
0x2c: {  	s7 =	sld [smem:$0x3FAF]  }
0x2d: {  	s3 =	simm.s32 $0x108;
	s8 =	sld [smem:$0x3FB0]  }
0x2e: {  	s3 =	simm.s32 @!p0 $0x1082;
	s9 =	sld [smem:$0x3FB1]  }
0x2f: {  	lr =	sadd.s32 s0, s3;
	s0 =	sld [smem:$0x3FA8]  }
0x30: {  	s3 =	sld [smem:$0x3FAB]  }
0x31: {  	[smem:$0x3FB4] =	sst s10  }
0x32: {  	s10 =	sld [smem:$0x3FB2];
	_ =	sdelay $0x3  }
0x33: {  	p0 =	seq.s32 s10, $0x1;
	s10 =	sld [smem:$0x3FB4];
	_ =	sdelay $0x3  }
0x34: {  	[smem:$0x3FB4] =	sst s10  }
0x35: {  	s10 =	sld [smem:$0x3FB3];
	_ =	sdelay $0x3  }
0x36: {  	p1 =	seq.s32 s10, $0x1;
	s10 =	sld [smem:$0x3FB4];
	_ =	sdelay $0x3  }
0x37: {  	[smem:$0x3FB4] =	sst s10  }
0x38: {  	s10 =	sld [smem:$0x3FB5]  }
0x39: {  	_ = 	snop;
	(pc) =	sbr.ind lr, $3  }
0x3a: {  	_ = 	snop  }
0x3b: {  	_ = 	snop  }
0x3c: {  	p2 =	seq.s32 s10, $0x1;
	s10 =	sld [smem:$0x3FB4]  }
0x3d: {  	_ =	shalt  }
0x3e: {  	_ =	shalt  }
0x3f: {  	_ =	shalt  }
0x40: {  	_ =	shalt  }
0x41: {  	_ =	shalt  }
0x42: {  	_ =	shalt  }
0x43: {  	_ =	shalt  }
0x44: {  	_ =	shalt  }
0x45: {  	_ =	shalt  }
0x46: {  	_ =	shalt  }
0x47: {  	_ =	shalt  }
0x48: {  	_ =	shalt  }
0x49: {  	_ =	shalt  }
0x4a: {  	_ =	shalt  }
0x4b: {  	_ =	shalt  }
0x4c: {  	_ =	shalt  }
0x4d: {  	_ =	shalt  }
0x4e: {  	_ =	shalt  }
0x4f: {  	_ =	shalt  }
0x50: {  	_ =	shalt  }
0x51: {  	_ =	shalt  }
0x52: {  	_ =	shalt  }
0x53: {  	_ =	shalt  }
0x54: {  	_ =	shalt  }
0x55: {  	_ =	shalt  }
0x56: {  	_ =	shalt  }
0x57: {  	_ =	shalt  }
0x58: {  	_ =	shalt  }
0x59: {  	_ =	shalt  }
0x5a: {  	_ =	shalt  }
0x5b: {  	_ =	shalt  }
0x5c: {  	_ =	shalt  }
0x5d: {  	_ =	shalt  }
0x5e: {  	_ =	shalt  }
0x5f: {  	_ =	shalt  }
0x60: {  	_ =	shalt  }
0x61: {  	_ =	shalt  }
0x62: {  	_ =	shalt  }
0x63: {  	_ =	shalt  }
0x64: {  	_ =	shalt  }
0x65: {  	_ =	shalt  }
0x66: {  	_ =	shalt  }
0x67: {  	_ =	shalt  }
0x68: {  	_ =	shalt  }
0x69: {  	_ =	shalt  }
0x6a: {  	_ =	shalt  }
0x6b: {  	_ =	shalt  }
0x6c: {  	_ =	shalt  }
0x6d: {  	_ =	shalt  }
0x6e: {  	_ =	shalt  }
0x6f: {  	_ =	shalt  }
0x70: {  	_ =	shalt  }
0x71: {  	_ =	shalt  }
0x72: {  	_ =	shalt  }
0x73: {  	_ =	shalt  }
0x74: {  	_ =	shalt  }
0x75: {  	_ =	shalt  }
0x76: {  	_ =	shalt  }
0x77: {  	_ =	shalt  }
0x78: {  	_ =	shalt  }
0x79: {  	_ =	shalt  }
0x7a: {  	_ =	shalt  }
0x7b: {  	_ =	shalt  }
0x7c: {  	_ =	shalt  }
0x7d: {  	_ =	shalt  }
0x7e: {  	_ =	shalt  }
0x7f: {  	_ =	shalt  }
0x80: {  	_ =	shalt  }
0x81: {  	_ =	shalt  }
0x82: {  	_ =	shalt  }
0x83: {  	_ =	shalt  }
0x84: {  	_ =	shalt  }
0x85: {  	_ =	shalt  }
0x86: {  	_ =	shalt  }
0x87: {  	_ =	shalt  }
.Lfunc_end0:
.L_simem_size_0:
called_computation.1_lowered:
.L_overlay_start_0:
0x88: {  	s2 =	sld [smem:$0x3FD9]  }
0x89: {  	s3 =	sld [smem:$0x3FFE];
	_ =	sdelay $0x1  }
0x8a: {  	s1 =	srdreg.scid  }
0x8b: {  	s0 =	sand.u32 $0x1, s1  }
0x8c: {  	s16 =	sshll.u32 s0, $0xA;
	s2 =	sadd.s32 s3, s2  }
0x8d: {  	s2 =	sadd.s32 s2, s16  }
0x8e: {  	[smem:$0x3FC0] =	sst s2  }
0x8f: {  	_ = 	snop  }
0x90: {  	(tm) =	ssettm $0x1  }
0x91: {  	s17 =	sld [smem:$0x3FFB];
	_ =	sdelay $0x3  }
0x92: {  	_ =	strace s17  }
0x93: {  	s2 =	sld [smem:$0x3FFC];
	_ =	sdelay $0x3  }
0x94: {  	_ =	strace s2  }
0x95: {  	s2 =	sld [smem:$0x3FFD];
	_ =	sdelay $0x3  }
0x96: {  	_ =	strace s2  }
0x97: {  	_ =	strace $0x8FFFFFFF  }
0x98: {  	s18 =	sld [smem:$0x3FDB];
	_ =	sdelay $0x1  }
0x99: {  	s19 =	simm.s32 $_scs_section_size  }
0x9a: {  	s4 =	simm.s32 $_size__tile_overlayer_lowered;
	s5 =	simm.s32 $_tile_overlayer_lowered  }
0x9b: {  	s22 =	simm.s32 $0x1BFF;
	s21 =	sshll.u32 s5, $0x1;
	s2 =	sadd.s32 s19, s18  }
0x9c: {  	s6 =	simm.s32 $0x0;
	s20 =	sshll.u32 s4, $0x1;
	s4 =	sadd.s32 s21, s2  }
0x9d: {  	[timem:s6], [sflag:s22] =	dma.local [hbm:s4], s20  }
0x9e: {  	_ =	swait.ge [sflag:s22], s20  }
0x9f: {  	s3 =	ssub.s32 $0x0, s20;
	[sflag:s22] =	ssyncset.done $0x0  }
0xa0: {  	[sflag:s22] =	ssyncadd.s32 s3;
	_ =	sdelay $0x1  }
0xa1: {  	s23 =	simm.s32 $0x1B8B  }
0xa2: {  	_ =	swait.ge [sflag:s23], $0x1  }
0xa3: {  	[sflag:s23] =	ssyncset.done $0x0  }
0xa4: {  	s25 =	simm.s32 $0x1B8E;
	s24 =	sld [smem:$0x3FFE];
	[sflag:s23] =	ssyncadd.s32 $0xFFFFFFFF  }
0xa5: {  	s26 =	simm.s32 $execute0_lowered;
	[smem:$0x3FD2] =	sst s25  }
0xa6: {  	s4 =	sshll.u32 s26, $0x1;
	_ =	strace $0x80000049;
	[dreg:$0x1] =	wrdreg $0xFFFFFFFF  }
0xa7: {  	s28 =	simm.s32 $_size_execute0_lowered;
	s2 =	sadd.s32 s2, s4;
	[dreg:$0x0] =	wrdreg $0x0  }
0xa8: {  	s4 =	sshll.u32 s28, $0x1;
	[dreg:$0x2] =	wrdreg s2  }
0xa9: {  	[dreg:$0x3] =	wrdreg s4  }
0xaa: {  	[dreg:$0x4] =	wrdreg $0xC0  }
0xab: {  	_ =	task [dreg:s6], $0x5FFFF  }
0xac: {  	[dreg:$0x1] =	wrdreg $0xFFFFFFFF  }
0xad: {  	[dreg:$0x0] =	wrdreg $0x60  }
0xae: {  	[dreg:$0x2] =	wrdreg s24  }
0xaf: {  	[dreg:$0x3] =	wrdreg $0x9  }
0xb0: {  	_ =	task.clear_ibuf [dreg:s6], $0x4FFFF;
	_ =	strace $0x90000049  }
0xb1: {  	s29 =	simm.s32 $0x9;
	_ =	strace $0x8000004B  }
0xb2: {  	_ =	swait.ge [sflag:s29], $0x1  }
0xb3: {  	[sflag:s29] =	ssyncadd.s32 $0xFFFFFFFF  }
0xb4: {  	_ =	strace $0x9000004B  }
0xb5: {  	_ =	sfence  }
0xb6: {  	s30 =	sld [smem:$0x0];
	_ =	sdelay $0x2  }
0xb7: {  	s31 =	sshll.u32 s1, $0xD;
	s1 =	sshrl.u32 s1, $0x2  }
0xb8: {  	s3 =	sand.u32 $0x4000, s31;
	s1 =	sadd.s32 s1, s30  }
0xb9: {  	s0 =	sor.u32 s3, s0;
	s1 =	sshll.u32 s1, $0x11  }
0xba: {  	s0 =	sor.u32 s1, s0  }
0xbb: {  	s0 =	sadd.s32 $0x8F2B, s0  }
0xbc: {  	[sflag:s0] =	ssyncadd.remote.s32 $0x1  }
0xbd: {  	_ =	sfence.sel $0xFFFF  }
0xbe: {  	[dreg:$0x0] =	wrdreg $0xFFFFFFFF;
	(pc) =	sbr.abs _section_cstart, $3  }
0xbf: {  	[dreg:$0x1] =	wrdreg $0xFFFFFFFF  }
0xc0: {  	_ =	task.clear_ibuf [dreg:s6], $0x2FFFF;
	_ =	strace $0x9FFFFFFF  }
0xc1: {  	(tm) =	ssettm $0x7FFFFFFF  }
tec
execute0_lowered:
.L_overlay_start_1:
0x0: {  	(tag) =	ssettag $0x1  }
0x1: {  	s4 =	rddreg [dreg:$0x0];
	s2 =	srdreg.scid  }
0x2: {  	s0 =	rddreg [dreg:$0x1];
	s1 =	stileid.u32  }
0x3: {  	s9 =	simm.s32 $0x3;
	s10 =	simm.s32 $0x6400;
	s11 =	simm.s32 $0x8400  }
0x4: {  	s12 =	simm.s32 $0x1;
	s13 =	simm.s32 $0x2;
	s14 =	simm.s32 $0xA400  }
0x5: {  	s15 =	simm.s32 $0x0;
	s3 =	sand.u32 $0x1, s2;
	s2 =	simm.s32 $0x0  }
0x6: {  	s5 =	sshll.u32 s1, $0x8;
	s6 =	sshll.u32 s3, $0x7;
	[smem:$0x7FF] =	sst s2  }
0x7: {  	s7 =	ssub.s32 $0x2, s3;
	s3 =	sadd.s32 $0xF5CA00, s4;
	s5 =	sor.u32 s6, s5  }
0x8: {  	_ =	strace $0x8000004A;
	s8 =	sshrl.u32 s7, $0x1;
	s6 =	sshrl.u32 s5, $0x3  }
0x9: {  	s5 =	sshll.u32 s5, $0x3;
	s7 =	ssub.s32 s7, s8;
	s6 =	sadd.s32 s6, s4  }
0xa: {  	s8 =	simm.s32 $0x1000;
	s5 =	sadd.s32 s5, s4;
	s4 =	sadd.s32 $0xF43A00, s6  }
0xb: {  	v0 =	vimm.f32 $0.0e+00;
	s5 =	sadd.s32 $0x1600, s5;
	s6 =	smax.u32 s7, $0x1;
	s7 =	simm.s32 $0x80  }
.LBB2_1:
0xc: {  	[tilespmem:s2], [sflag:$0x3] =	stream.strided.gather [hbm4b:s4+s7], $0x6400, s8, s7, $0x38;
	[tilespmem:$0xC400] =	vst v63  }
0xd: {  	_ =	swait.ge [sflag:s9], $0x6400  }
0xe: {  	[sflag:s9] =	ssyncset.done $0x0  }
0xf: {  	s16 =	simm.s32 $0x0;
	[sflag:s9] =	ssyncadd.s32 $0xFFFF9C00  }
0x10: {  	v3 =	vld [tilespmem:s16+$0x0]  }
0x11: {  	v5 =	vld [tilespmem:s16+$0x10]  }
0x12: {  	v4 =	vld [tilespmem:s16+$0x20]  }
0x13: {  	v2 =	vld [tilespmem:s16+$0x30]  }
0x14: {  	v1 =	vld [tilespmem:s16+$0x40]  }
0x15: {  	v6 =	vshll.u32 v3, $0x1;
	v3 =	vld [tilespmem:s16+$0x50]  }
0x16: {  	s17 =	simm.s32 $0x200;
	[tilespmem:s16+$0x0] =	vst v6;
	v6 =	vshll.u32 v5, $0x1;
	v5 =	vld [tilespmem:s16+$0x60]  }
.LBB2_2:
0x17: {  	s18 =	sshra.s32 s17, $0x2;
	p0 =	sne.s32 s17, $0x18E00;
	[tilespmem:s16+$0x10] =	vst v6;
	v4 =	vshll.u32 v4, $0x1;
	v6 =	vld [tilespmem:s16+$0x70]  }
0x18: {  	v7 =	vld [tilespmem:s18+$0x0];
	[tilespmem:s16+$0x20] =	vst v4;
	v2 =	vshll.u32 v2, $0x1  }
0x19: {  	v8 =	vld [tilespmem:s18+$0x10];
	[tilespmem:s16+$0x30] =	vst v2;
	v1 =	vshll.u32 v1, $0x1  }
.Ltmp0:
0x1a: {  	v4 =	vld [tilespmem:s18+$0x20];
	[tilespmem:s16+$0x40] =	vst v1;
	v1 =	vshll.u32 v3, $0x1;
	(pc) =	sbr.rel @p0 .LBB2_2-.Ltmp0, $4  }
0x1b: {  	v2 =	vld [tilespmem:s18+$0x30];
	[tilespmem:s16+$0x50] =	vst v1;
	v3 =	vshll.u32 v5, $0x1  }
0x1c: {  	v1 =	vld [tilespmem:s18+$0x40];
	[tilespmem:s16+$0x60] =	vst v3;
	v5 =	vshll.u32 v6, $0x1  }
0x1d: {  	v6 =	vshll.u32 v7, $0x1;
	v3 =	vld [tilespmem:s18+$0x50];
	[tilespmem:s16+$0x70] =	vst v5;
	s16 =	smov.u32 s18  }
0x1e: {  	s17 =	sadd.s32 $0x200, s17;
	[tilespmem:s16+$0x0] =	vst v6;
	v6 =	vshll.u32 v8, $0x1;
	v5 =	vld [tilespmem:s16+$0x60]  }
0x1f: {  	[tilespmem:s16+$0x10] =	vst v6;
	v4 =	vshll.u32 v4, $0x1;
	v63 =	vld [tilespmem:s16+$0x70]  }
0x20: {  	[tilespmem:s16+$0x20] =	vst v4;
	v2 =	vshll.u32 v2, $0x1  }
0x21: {  	[tilespmem:s16+$0x30] =	vst v2;
	v1 =	vshll.u32 v1, $0x1  }
0x22: {  	[tilespmem:s16+$0x40] =	vst v1;
	v1 =	vshll.u32 v3, $0x1  }
0x23: {  	[tilespmem:s16+$0x50] =	vst v1;
	v1 =	vshll.u32 v5, $0x1  }
0x24: {  	[tilespmem:s16+$0x60] =	vst v1;
	v1 =	vshll.u32 v63, $0x1  }
0x25: {  	s17 =	simm.s32 $0x100;
	[tilespmem:s16+$0x70] =	vst v1;
	s16 =	simm.s32 $0x0  }
.LBB2_4:
0x26: {  	p0 =	sne.s32 s17, $0x7F00;
	[tilespmem:s16+$0xA430] =	vst v0;
	s18 =	smov.u32 s17;
	s17 =	sadd.s32 $0x100, s17  }
.Ltmp1:
0x27: {  	[tilespmem:s16+$0xA420] =	vst v0;
	(pc) =	sbr.rel @p0 .LBB2_4-.Ltmp1, $3  }
0x28: {  	[tilespmem:s16+$0xA400] =	vst v0  }
0x29: {  	[tilespmem:s16+$0xA410] =	vst v0;
	_ =	sdelay $0x1  }
0x2a: {  	s16 =	sshra.s32 s18, $0x2  }
0x2b: {  	[tilespmem:s16+$0xA430] =	vst v0  }
0x2c: {  	[tilespmem:s16+$0xA420] =	vst v0  }
0x2d: {  	[tilespmem:s16+$0xA400] =	vst v0  }
0x2e: {  	[tilespmem:s16+$0xA410] =	vst v0;
	s16 =	simm.s32 $0x0  }
0x2f: {  	[tilespmem:s10], [sflag:$0x1] =	stream.indirect.gather [hbm4b:s3+s7], $0x40, s16, s7, $0xb8;
	[tilespmem:$0xC400] =	vst v63  }
.LBB2_6:
0x30: {  	s17 =	sshll.u32 s16, $0x8  }
0x31: {  	s17 =	sand.u32 $0x3FFFFF00, s17  }
0x32: {  	s18 =	sor.u32 $0x80, s17  }
0x33: {  	[tilespmem:s11], [sflag:$0x2] =	stream.indirect.gather [hbm4b:s3+s7], $0x40, s18, s7, $0xb8;
	[tilespmem:$0xC400] =	vst v63  }
0x34: {  	_ =	swait.ge [sflag:s12], $0x2000  }
0x35: {  	[sflag:s12] =	ssyncset.done $0x0  }
0x36: {  	s18 =	simm.s32 $0x0;
	[sflag:s12] =	ssyncadd.s32 $0xFFFFE000  }
0x37: {  	v2 =	vld [tilespmem:s18+$0x6430]  }
0x38: {  	v3 =	vld [tilespmem:s18+$0x6400]  }
0x39: {  	v4 =	vld [tilespmem:s18+$0x6410]  }
0x3a: {  	v1 =	vld [tilespmem:s18+$0x6420];
	_ =	sdelay $0x1  }
0x3b: {  	[tilespmem:s18+$0xA430] =	vst.add.f32.msk $0xffff, v2  }
0x3c: {  	[tilespmem:s18+$0xA400] =	vst.add.f32.msk $0xffff, v3  }
0x3d: {  	s19 =	simm.s32 $0x40;
	s20 =	simm.s32 $0x200;
	[tilespmem:s18+$0xA410] =	vst.add.f32.msk $0xffff, v4  }
.LBB2_7:
0x3e: {  	p0 =	sne.s32 s20, $0x7F00;
	v2 =	vld [tilespmem:s19+$0x6430];
	v3 =	vmov v1  }
0x3f: {  	v4 =	vld [tilespmem:s19+$0x6400]  }
0x40: {  	v5 =	vld [tilespmem:s19+$0x6410]  }
.Ltmp2:
0x41: {  	v1 =	vld [tilespmem:s19+$0x6420];
	(pc) =	sbr.rel @p0 .LBB2_7-.Ltmp2, $4  }
0x42: {  	[tilespmem:s18+$0xA420] =	vst.add.f32.msk $0xffff, v3;
	s18 =	smov.u32 s19  }
0x43: {  	[tilespmem:s18+$0xA430] =	vst.add.f32.msk $0xffff, v2  }
0x44: {  	[tilespmem:s18+$0xA400] =	vst.add.f32.msk $0xffff, v4  }
0x45: {  	s19 =	sshra.s32 s20, $0x2;
	s20 =	sadd.s32 $0x100, s20;
	[tilespmem:s18+$0xA410] =	vst.add.f32.msk $0xffff, v5  }
0x46: {  	v2 =	vld [tilespmem:s19+$0x6430]  }
0x47: {  	v3 =	vld [tilespmem:s19+$0x6400]  }
0x48: {  	v4 =	vld [tilespmem:s19+$0x6410]  }
0x49: {  	v5 =	vld [tilespmem:s19+$0x6420]  }
0x4a: {  	[tilespmem:s18+$0xA420] =	vst.add.f32.msk $0xffff, v1  }
0x4b: {  	[tilespmem:s19+$0xA430] =	vst.add.f32.msk $0xffff, v2  }
0x4c: {  	[tilespmem:s19+$0xA400] =	vst.add.f32.msk $0xffff, v3  }
0x4d: {  	p0 =	seq.s32 s16, $0x63;
	[tilespmem:s19+$0xA410] =	vst.add.f32.msk $0xffff, v4  }
0x4e: {  	s17 =	sadd.s32 @!p0 $0x100, s17;
	s18 =	simm.s32 @!p0 $0x80;
	[tilespmem:s19+$0xA420] =	vst.add.f32.msk $0xffff, v5;
	s19 =	simm.s32 @!p0 $0x6400  }
0x4f: {  	[tilespmem:s19], [sflag:$0x1] =	stream.indirect.gather @!p0 [hbm4b:s3+s18], $0x40, s17, s18, $0xb8;
	[tilespmem:$0xC400] =	vst v63  }
0x50: {  	_ =	swait.ge [sflag:s13], $0x2000  }
0x51: {  	[sflag:s13] =	ssyncset.done $0x0  }
0x52: {  	s17 =	simm.s32 $0x0;
	[sflag:s13] =	ssyncadd.s32 $0xFFFFE000  }
0x53: {  	v2 =	vld [tilespmem:s17+$0x8430]  }
0x54: {  	v3 =	vld [tilespmem:s17+$0x8400]  }
0x55: {  	v63 =	vld [tilespmem:s17+$0x8410]  }
0x56: {  	v1 =	vld [tilespmem:s17+$0x8420];
	_ =	sdelay $0x1  }
0x57: {  	[tilespmem:s17+$0xA430] =	vst.add.f32.msk $0xffff, v2  }
0x58: {  	[tilespmem:s17+$0xA400] =	vst.add.f32.msk $0xffff, v3  }
0x59: {  	s18 =	simm.s32 $0x40;
	s19 =	simm.s32 $0x200;
	[tilespmem:s17+$0xA410] =	vst.add.f32.msk $0xffff, v63  }
.LBB2_9:
0x5a: {  	p0 =	sne.s32 s19, $0x7F00;
	v2 =	vld [tilespmem:s18+$0x8430];
	v3 =	vmov v1  }
0x5b: {  	v4 =	vld [tilespmem:s18+$0x8400]  }
0x5c: {  	v5 =	vld [tilespmem:s18+$0x8410]  }
.Ltmp3:
0x5d: {  	v1 =	vld [tilespmem:s18+$0x8420];
	(pc) =	sbr.rel @p0 .LBB2_9-.Ltmp3, $4  }
0x5e: {  	[tilespmem:s17+$0xA420] =	vst.add.f32.msk $0xffff, v3;
	s17 =	smov.u32 s18  }
0x5f: {  	[tilespmem:s17+$0xA430] =	vst.add.f32.msk $0xffff, v2  }
0x60: {  	[tilespmem:s17+$0xA400] =	vst.add.f32.msk $0xffff, v4  }
0x61: {  	s18 =	sshra.s32 s19, $0x2;
	s19 =	sadd.s32 $0x100, s19;
	[tilespmem:s17+$0xA410] =	vst.add.f32.msk $0xffff, v5  }
0x62: {  	v2 =	vld [tilespmem:s18+$0x8430]  }
0x63: {  	v3 =	vld [tilespmem:s18+$0x8400]  }
0x64: {  	v4 =	vld [tilespmem:s18+$0x8410];
	s16 =	sadd.s32 $0x1, s16  }
0x65: {  	v5 =	vld [tilespmem:s18+$0x8420];
	p0 =	sne.s32 s16, $0x64  }
.Ltmp4:
0x66: {  	[tilespmem:s17+$0xA420] =	vst.add.f32.msk $0xffff, v1;
	(pc) =	sbr.rel @p0 .LBB2_6-.Ltmp4, $4  }
0x67: {  	[tilespmem:s18+$0xA430] =	vst.add.f32.msk $0xffff, v2  }
0x68: {  	[tilespmem:s18+$0xA400] =	vst.add.f32.msk $0xffff, v3  }
0x69: {  	[tilespmem:s18+$0xA410] =	vst.add.f32.msk $0xffff, v4  }
0x6a: {  	[tilespmem:s18+$0xA420] =	vst.add.f32.msk $0xffff, v5  }
0x6b: {  	s16 =	simm.s32 $0x0  }
0x6c: {  	v1 =	vld [tilespmem:s16+$0xA400]  }
0x6d: {  	v3 =	vld [tilespmem:s16+$0xA410]  }
0x6e: {  	s17 =	simm.s32 $0x100;
	v2 =	vld [tilespmem:s16+$0xA420]  }
.LBB2_12:
0x6f: {  	p0 =	sne.s32 s17, $0x7F00;
	v4 =	vld [tilespmem:s16+$0xA430];
	_ =	sdelay $0x1  }
0x70: {  	v1 =	vmul.f32 $4.999999890e-03, v1  }
.Ltmp5:
0x71: {  	v3 =	vmul.f32 $4.999999890e-03, v3;
	(pc) =	sbr.rel @p0 .LBB2_12-.Ltmp5, $4  }
0x72: {  	s18 =	sshra.s32 s17, $0x2;
	[tilespmem:s16+$0xA400] =	vst v1;
	v2 =	vmul.f32 $4.999999890e-03, v2  }
0x73: {  	v1 =	vld [tilespmem:s18+$0xA400];
	[tilespmem:s16+$0xA410] =	vst v3;
	v4 =	vmul.f32 $4.999999890e-03, v4  }
0x74: {  	v3 =	vld [tilespmem:s18+$0xA410];
	[tilespmem:s16+$0xA420] =	vst v2  }
0x75: {  	s17 =	sadd.s32 $0x100, s17;
	v2 =	vld [tilespmem:s18+$0xA420];
	[tilespmem:s16+$0xA430] =	vst v4;
	s16 =	smov.u32 s18  }
0x76: {  	v4 =	vld [tilespmem:s16+$0xA430];
	_ =	sdelay $0x1  }
0x77: {  	v1 =	vmul.f32 $4.999999890e-03, v1  }
0x78: {  	v3 =	vmul.f32 $4.999999890e-03, v3  }
0x79: {  	[tilespmem:s16+$0xA400] =	vst v1;
	v1 =	vmul.f32 $4.999999890e-03, v2  }
0x7a: {  	s15 =	sadd.s32 $0x1, s15;
	[tilespmem:s16+$0xA410] =	vst v3;
	v2 =	vmul.f32 $4.999999890e-03, v4  }
0x7b: {  	p0 =	sne.s32 s15, s6;
	[tilespmem:s16+$0xA420] =	vst v1  }
.Ltmp6:
0x7c: {  	[tilespmem:s16+$0xA430] =	vst v2;
	(pc) =	sbr.rel @p0 .LBB2_1-.Ltmp6, $4  }
0x7d: {  	[hbm4b:s5+s2] =	stream.linear.scatter [tilespmem:s14], [sflag:$0x3], $0x2000, $0x38;
	[tilespmem:$0xC400] =	vst v63  }
0x7e: {  	_ =	swait.ge [sflag:s9], $0x2000  }
0x7f: {  	[sflag:s9] =	ssyncset.done $0x0  }
0x80: {  	[sflag:s9] =	ssyncadd.s32 $0xFFFFE000  }
0x81: {  	_ =	sfence.sel $0x180000  }
0x82: {  	[bflag:$0x0] =	sbarrier.arrive $0xFFFF  }
0x83: {  	p0 =	sne.s32 s1, $0x0;
	_ =	strace $0x9000004A  }
0x84: {  	s0 =	sadd.s32 @!p0 $0x100000, s0;
	[bflag:$0x2] =	sbarrier.arrive $0xFFFF  }
0x85: {  	[sflag:s0] =	ssyncadd.tile.s32 @!p0 $0x1;
	_ =	shalt  }
.Lfunc_end2:
_tile_overlayer_lowered:
.L_overlay_start_2:
0x86: {  	(tag) =	ssettag $0x2  }
0x87: {  	s0 =	rddreg [dreg:$0x0];
	s2 =	stileid.u32  }
0x88: {  	s1 =	rddreg [dreg:$0x1];
	p0 =	sne.s32 s2, $0x0  }
0x89: {  	s3 =	rddreg [dreg:$0x2];
	[bflag:$0x3] =	sbarrier.arrive $0xFFFF;
	s2 =	simm.s32 @!p0 $0x1C03  }
0x8a: {  	[timem:s3], [sflag:s2] =	dma.local @!p0 [hbm:s0], s1  }
0x8b: {  	s0 =	simm.s32 @!p0 $0x3  }
0x8c: {  	_ =	swait.ge @!p0 [sflag:s0], s1  }
0x8d: {  	s1 =	ssub.s32 @!p0 $0x0, s1;
	[sflag:s0] =	ssyncset.done @!p0 $0x0  }
0x8e: {  	[sflag:s0] =	ssyncadd.s32 @!p0 s1  }
0x8f: {  	[bflag:$0x3] =	sbarrier.arrive $0xFFFF  }
0x90: {  	_ =	shalt  }

// kernel: sparse-core-data-format-call.cloned.1.call-start
scs
called_computation_lowered:
.L_overlay_start_0:
0x0: {  	s2 =	sld [smem:$0x3FD9]  }
0x1: {  	s3 =	sld [smem:$0x3FFE];
	_ =	sdelay $0x1  }
0x2: {  	s1 =	srdreg.scid  }
0x3: {  	s0 =	sand.u32 $0x1, s1  }
0x4: {  	s18 =	sshll.u32 s0, $0xA;
	s2 =	sadd.s32 s3, s2  }
0x5: {  	s2 =	sadd.s32 s2, s18  }
0x6: {  	[smem:$0x3FC0] =	sst s2  }
0x7: {  	_ = 	snop  }
0x8: {  	s2 =	sld [smem:$0x3FC8];
	(tm) =	ssettm $0x1  }
0x9: {  	s19 =	sld [smem:$0x3FFB];
	_ =	sdelay $0x3  }
0xa: {  	_ =	strace s19  }
0xb: {  	s3 =	sld [smem:$0x3FFC];
	_ =	sdelay $0x3  }
0xc: {  	_ =	strace s3  }
0xd: {  	s3 =	sld [smem:$0x3FFD];
	_ =	sdelay $0x3  }
0xe: {  	_ =	strace s3  }
0xf: {  	_ =	strace $0x8FFFFFFF  }
0x10: {  	s20 =	sld [smem:$0x3FDB];
	_ =	sdelay $0x1  }
0x11: {  	s4 =	simm.s32 $_scs_section_size  }
0x12: {  	s5 =	simm.s32 $_size__tile_overlayer_lowered;
	s6 =	simm.s32 $_tile_overlayer_lowered  }
0x13: {  	s23 =	simm.s32 $0x1BFF;
	s22 =	sshll.u32 s6, $0x1;
	s3 =	sadd.s32 s4, s20  }
0x14: {  	s7 =	simm.s32 $0x0;
	s21 =	sshll.u32 s5, $0x1;
	s5 =	sadd.s32 s22, s3  }
0x15: {  	[timem:s7], [sflag:s23] =	dma.local [hbm:s5], s21  }
0x16: {  	_ =	swait.ge [sflag:s23], s21  }
0x17: {  	s4 =	ssub.s32 $0x0, s21;
	[sflag:s23] =	ssyncset.done $0x0  }
0x18: {  	[sflag:s23] =	ssyncadd.s32 s4;
	_ =	sdelay $0x1  }
0x19: {  	s24 =	simm.s32 $0x1B8B  }
0x1a: {  	_ =	swait.ge [sflag:s24], $0x1  }
0x1b: {  	[sflag:s24] =	ssyncset.done $0x0  }
0x1c: {  	s26 =	simm.s32 $0x1B8E;
	s25 =	sld [smem:$0x3FFE];
	[sflag:s24] =	ssyncadd.s32 $0xFFFFFFFF  }
0x1d: {  	s27 =	simm.s32 $execute0_lowered;
	[smem:$0x3FD2] =	sst s26  }
0x1e: {  	s5 =	sshll.u32 s27, $0x1;
	_ =	strace $0x80000046;
	[dreg:$0x1] =	wrdreg $0xFFFFFFFF  }
0x1f: {  	s28 =	simm.s32 $_size_execute0_lowered;
	s3 =	sadd.s32 s3, s5;
	[dreg:$0x0] =	wrdreg $0x0  }
0x20: {  	s5 =	sshll.u32 s28, $0x1;
	[dreg:$0x2] =	wrdreg s3  }
0x21: {  	[dreg:$0x3] =	wrdreg s5  }
0x22: {  	[dreg:$0x4] =	wrdreg $0xC0  }
0x23: {  	_ =	task [dreg:s7], $0x5FFFF  }
0x24: {  	[dreg:$0x1] =	wrdreg $0xFFFFFFFF  }
0x25: {  	[dreg:$0x0] =	wrdreg $0x60  }
0x26: {  	[dreg:$0x2] =	wrdreg s2  }
0x27: {  	[dreg:$0x3] =	wrdreg s25  }
0x28: {  	[dreg:$0x4] =	wrdreg $0x9  }
0x29: {  	_ =	task.clear_ibuf [dreg:s7], $0x5FFFF;
	_ =	strace $0x90000046  }
0x2a: {  	s29 =	simm.s32 $0x9;
	_ =	strace $0x80000048  }
0x2b: {  	_ =	swait.ge [sflag:s29], $0x1  }
0x2c: {  	[sflag:s29] =	ssyncadd.s32 $0xFFFFFFFF  }
0x2d: {  	_ =	strace $0x90000048  }
0x2e: {  	_ =	sfence  }
0x2f: {  	s30 =	sld [smem:$0x0];
	_ =	sdelay $0x2  }
0x30: {  	s31 =	sshll.u32 s1, $0xD;
	s1 =	sshrl.u32 s1, $0x2  }
0x31: {  	s3 =	sand.u32 $0x4000, s31;
	s1 =	sadd.s32 s1, s30  }
0x32: {  	s0 =	sor.u32 s3, s0;
	s1 =	sshll.u32 s1, $0x11  }
0x33: {  	s0 =	sor.u32 s1, s0  }
0x34: {  	s0 =	sadd.s32 $0x8F2B, s0  }
0x35: {  	[sflag:s0] =	ssyncadd.remote.s32 $0x1  }
0x36: {  	_ =	sfence.sel $0xFFFF  }
0x37: {  	[dreg:$0x0] =	wrdreg $0xFFFFFFFF;
	(pc) =	sbr.abs _section_cstart, $3  }
0x38: {  	[dreg:$0x1] =	wrdreg $0xFFFFFFFF  }
0x39: {  	_ =	task.clear_ibuf [dreg:s7], $0x2FFFF;
	_ =	strace $0x9FFFFFFF  }
0x3a: {  	(tm) =	ssettm $0x7FFFFFFF  }
0x3b: {  	_ =	shalt  }
tec
execute0_lowered:
.L_overlay_start_1:
0x0: {  	(tag) =	ssettag $0x1  }
0x1: {  	s0 =	srdreg.scid;
	s2 =	rddreg [dreg:$0x0]  }
0x2: {  	s5 =	rddreg [dreg:$0x1];
	s1 =	stileid.u32  }
0x3: {  	s4 =	simm.s32 $0x1;
	s6 =	simm.s32 $0x2;
	s15 =	simm.s32 $0x0  }
0x4: {  	p0 =	por $0x0, $0x0;
	s8 =	simm.s32 $0x80;
	s0 =	sshll.u32 s0, $0x4  }
0x5: {  	s14 =	simm.s32 $0x0;
	s9 =	simm.s32 $0x0;
	s3 =	sand.u32 $0x10, s0  }
.Ltmp0:
0x6: {  	s10 =	simm.s32 $0x0;
	s3 =	sor.u32 s1, s3;
	(pc) =	sbr.rel .LBB1_1-.Ltmp0, $4  }
0x7: {  	s0 =	rddreg [dreg:$0x2];
	_ =	strace $0x80000047;
	s3 =	sshll.u32 s3, $0x7  }
0x8: {  	s12 =	simm.s32 $0x0;
	[sflag:s4] =	ssyncpa.u1 $0x0;
	s7 =	ssub.s32 $0xF4200, s3  }
0x9: {  	s13 =	simm.s32 $0x0;
	[sflag:s6] =	ssyncpa.u1 $0x0;
	s6 =	sshrl.u32 s7, $0xC  }
0xa: {  	s5 =	sadd.s32 $0x1600, s5;
	s11 =	smov.u32 s3;
	s7 =	sadd.s32 $0x2, s6  }
.LBB1_5:
0xb: {  	p1 =	slt.u32 s13, $0x2  }
0xc: {  	s17 =	smov.u32 s15;
	p2 =	sgt.s32 @!p1 s15, $0xF41C0;
	s16 =	sshra.s32 @!p1 s15, $0x1F  }
0xd: {  	p3 =	sgt.s32 @!p1 s14, $0x40;
	s18 =	sshra.s32 @!p1 s14, $0x1F;
	p2 =	por !p2, p1  }
0xe: {  	s15 =	sand.u32 @!p1 s16, s15;
	p3 =	por !p3, p1;
	s16 =	smov.u32 s14  }
0xf: {  	s14 =	sand.u32 @!p1 s18, s14;
	s17 =	simm.s32 @p2 $0xF41C0;
	s16 =	simm.s32 @p3 $0x40  }
0x10: {  	s15 =	ssub.s32 @!p1 s17, s15;
	s14 =	ssub.s32 @!p1 s16, s14  }
0x11: {  	s18 =	smov.u32 s12;
	s16 =	sadd.s32 @!p1 $0xFFF0BE40, s15;
	s17 =	sadd.s32 @!p1 $0xFFFFFFC0, s14  }
0x12: {  	s15 =	ssub.s32 @!p1 $0xF4240, s15;
	p2 =	sgt.s32 @!p1 s16, $0x7F;
	p3 =	sgt.s32 @!p1 s17, $0x3F  }
0x13: {  	s14 =	ssub.s32 @!p1 $0x80, s14;
	p2 =	por !p2, p1;
	p3 =	por !p3, p1  }
0x14: {  	s16 =	sadd.s32 $0x1000, s11;
	s15 =	simm.s32 @!p2 $0x0;
	s14 =	simm.s32 @!p3 $0x0  }
0x15: {  	p2 =	sgt.s32 s16, $0xF423F;
	s14 =	smul.u32 @!p1 s14, s15;
	s15 =	sadd.s32 $0x40, s12  }
0x16: {  	s18 =	smov.u32 @p2 s15  }
0x17: {  	s16 =	smov.u32 @p2 s3;
	p2 =	sgt.s32 s18, $0x3F  }
0x18: {  	s18 =	simm.s32 @p2 $0x0;
	p2 =	sne.s32 s13, s7  }
.Ltmp1:
0x19: {  	p0 =	por !p0, !p0;
	s17 =	simm.s32 @!p1 $0x2;
	(pc) =	sbr.rel @!p2 .LBB1_6-.Ltmp1, $4  }
0x1a: {  	s15 =	smov.u32 s9;
	s9 =	smov.u32 s11;
	s14 =	sand.u32 @!p1 $0x3FFFFFFF, s14  }
0x1b: {  	s11 =	smov.u32 s16;
	_ =	swait.ge @!p1 [sflag:s17], s14;
	s19 =	ssub.s32 @!p1 $0x0, s14  }
0x1c: {  	s14 =	smov.u32 s10;
	s13 =	sadd.s32 $0x1, s13;
	[sflag:s17] =	ssyncset.done @!p1 $0x0  }
0x1d: {  	s10 =	smov.u32 s12;
	s12 =	smov.u32 s18;
	[sflag:s17] =	ssyncadd.s32 @!p1 s19  }
.LBB1_1:
0x1e: {  	p1 =	sgt.u32 s13, s6  }
0x1f: {  	s16 =	sshrl.u32 @!p1 s12, $0x3  }
0x20: {  	s17 =	sshll.u32 @!p1 s11, $0x3;
	s16 =	smul.u32 @!p1 $0x7A1400, s16  }
0x21: {  	s18 =	sshll.u32 @!p1 s12, $0x7;
	s17 =	sand.u32 @!p1 $0xFFFFFC00, s17  }
0x22: {  	s16 =	sadd.s32 @!p1 s16, s17;
	s17 =	sand.u32 @!p1 $0x380, s18  }
0x23: {  	s18 =	sand.u32 @!p1 $0x7F, s11;
	s16 =	sor.u32 @!p1 s17, s16  }
0x24: {  	s17 =	sor.u32 @!p1 s18, s16  }
0x25: {  	s18 =	smulhi.u32 @!p1 $0x218D6287, s17;
	_ =	sdelay $0x1  }
0x26: {  	s16 =	smulhi.u32 @!p1 $0x218D6287, s16;
	s18 =	sshrl.u32 @!p1 s18, $0x11  }
0x27: {  	s18 =	smul.u32 @!p1 $0xF4280, s18  }
0x28: {  	s19 =	sxor.u32 @!p1 $0xFFFFFFFF, s13;
	s16 =	sshrl.u32 @!p1 s16, $0x11  }
0x29: {  	s19 =	sshll.u32 @!p1 s19, $0xD;
	s16 =	sand.u32 @!p1 $0x3F, s16;
	s17 =	ssub.s32 @!p1 s17, s18  }
0x2a: {  	s16 =	smul.u32 @!p1 $0x1E850, s16;
	s18 =	sshrl.u32 @!p1 s17, $0x3;
	s17 =	sand.u32 @!p1 $0x7, s17  }
0x2b: {  	s19 =	sand.u32 @!p1 $0x2000, s19;
	s18 =	sadd.s32 @!p1 s2, s18;
	s17 =	sshll.u32 @!p1 s17, $0x12  }
0x2c: {  	s16 =	sadd.s32 @!p1 s16, s18;
	s17 =	sor.u32 @!p1 $0x400, s17;
	s18 =	simm.s32 @!p1 $0x7A1400  }
0x2d: {  	[tilespmem:s19], [sflag:$0x1] =	stream.strided.gather @!p1 [hbm4b:s16+s17], $0x2000, s18, s17, $0x38;
	[tilespmem:$0x8100] =	vst v63  }
0x2e: {  	p1 =	seq.s32 s13, $0x0  }
0x2f: {  	p2 =	sge.u32 @!p1 s13, s7  }
0x30: {  	p1 =	por p1, p2  }
.Ltmp2:
0x31: {  	_ = 	snop;
	(pc) =	sbr.rel @p1 .LBB1_5-.Ltmp2, $1  }
0x32: {  	_ =	sdelay $0x3  }
0x33: {  	s16 =	simm.s32 $0x1  }
0x34: {  	_ =	swait.ge [sflag:s4], $0x2000;
	s16 =	simm.s32 @!p0 $0x0  }
0x35: {  	[sflag:s4] =	ssyncset.done $0x0;
	s17 =	sshll.u32 s16, $0xD  }
0x36: {  	[sflag:s4] =	ssyncadd.s32 $0xFFFFE000;
	s17 =	sor.u32 $0x40, s17  }
0x37: {  	s16 =	smul.u32 $0x8200, s16;
	v0 =	vld [tilespmem:s17+$0x30]  }
0x38: {  	v1 =	vld [tilespmem:s17+$0xFFFFFFD0]  }
0x39: {  	s16 =	sshrl.u32 s16, $0x2;
	v5 =	vld [tilespmem:s17+$0xFFFFFFE0]  }
0x3a: {  	v6 =	vld [tilespmem:s17+$0xFFFFFFF0];
	s19 =	sor.u32 $0x4000, s16  }
0x3b: {  	s31 =	sand.u32 $0x1, s13;
	v4 =	vld [tilespmem:s17+$0x0];
	s18 =	sadd.s32 $0x0, s19  }
0x3c: {  	v3 =	vld [tilespmem:s17+$0x10];
	s16 =	smul.u32 $0x8200, s31;
	[tilespmem:s18+$0x1C70 ss:$0x41] =	vst.msk $0xffff, v0  }
0x3d: {  	v2 =	vld [tilespmem:s17+$0x20];
	[tilespmem:s18+$0x410 ss:$0x41] =	vst.msk $0xffff, v1  }
0x3e: {  	s16 =	sshrl.u32 s16, $0x2;
	v1 =	vld [tilespmem:s17+$0xFFFFFFC0];
	[tilespmem:s18+$0x820 ss:$0x41] =	vst.msk $0xffff, v5;
	s17 =	sadd.s32 $0x80, s17  }
0x3f: {  	s20 =	simm.s32 $0x4;
	s21 =	simm.s32 $0x8;
	s16 =	sor.u32 $0x4000, s16;
	[tilespmem:s18+$0xC30 ss:$0x41] =	vst.msk $0xffff, v6;
	v0 =	vld [tilespmem:s17+$0x30]  }
.LBB1_3:
0x40: {  	p1 =	sne.s32 s21, $0xFC;
	v5 =	vld [tilespmem:s17+$0xFFFFFFD0];
	[tilespmem:s18+$0x1040 ss:$0x41] =	vst.msk $0xffff, v4  }
0x41: {  	v6 =	vld [tilespmem:s17+$0xFFFFFFE0];
	[tilespmem:s18+$0x1450 ss:$0x41] =	vst.msk $0xffff, v3  }
0x42: {  	s22 =	sshra.s32 s20, $0x2;
	s20 =	smov.u32 s21;
	v7 =	vld [tilespmem:s17+$0xFFFFFFF0];
	[tilespmem:s18+$0x1860 ss:$0x41] =	vst.msk $0xffff, v2  }
.Ltmp3:
0x43: {  	v4 =	vld [tilespmem:s17+$0x0];
	[tilespmem:s18+$0x0 ss:$0x41] =	vst.msk $0xffff, v1;
	s18 =	sadd.s32 s22, s19;
	(pc) =	sbr.rel @p1 .LBB1_3-.Ltmp3, $4  }
0x44: {  	v3 =	vld [tilespmem:s17+$0x10];
	[tilespmem:s18+$0x1C70 ss:$0x41] =	vst.msk $0xffff, v0  }
0x45: {  	[tilespmem:s18+$0x410 ss:$0x41] =	vst.msk $0xffff, v5;
	v2 =	vld [tilespmem:s17+$0x20]  }
0x46: {  	v1 =	vld [tilespmem:s17+$0xFFFFFFC0];
	[tilespmem:s18+$0x820 ss:$0x41] =	vst.msk $0xffff, v6;
	s17 =	sadd.s32 $0x80, s17  }
0x47: {  	s21 =	sadd.s32 $0x4, s21;
	v0 =	vld [tilespmem:s17+$0x30];
	[tilespmem:s18+$0xC30 ss:$0x41] =	vst.msk $0xffff, v7  }
0x48: {  	s21 =	sshll.u32 s9, $0x7;
	s22 =	sshll.u32 s10, $0x3;
	s20 =	sshra.s32 s20, $0x2  }
0x49: {  	p1 =	sgt.s32 s9, $0xF41C0;
	s30 =	sshra.s32 s9, $0x1F;
	s25 =	sshra.s32 s10, $0x1F  }
0x4a: {  	v5 =	vld [tilespmem:s17+$0xFFFFFFD0];
	s28 =	sshrl.u32 s10, $0x3;
	s23 =	sand.u32 $0xFFFFFC00, s21;
	s22 =	sand.u32 $0xFFFFFC00, s22  }
0x4b: {  	[tilespmem:s18+$0x1040 ss:$0x41] =	vst.msk $0xffff, v4;
	v58 =	vld [tilespmem:s17+$0xFFFFFFE0];
	s21 =	sand.u32 $0x380, s21;
	s19 =	sadd.s32 s20, s19;
	s22 =	sadd.s32 s22, s23  }
0x4c: {  	v59 =	vld [tilespmem:s17+$0xFFFFFFF0];
	[tilespmem:s18+$0x1450 ss:$0x41] =	vst.msk $0xffff, v3;
	s29 =	sor.u32 s21, s22;
	s21 =	smov.u32 s9;
	s22 =	sand.u32 s30, s9  }
0x4d: {  	v60 =	vld [tilespmem:s17+$0x0];
	[tilespmem:s18+$0x1860 ss:$0x41] =	vst.msk $0xffff, v2;
	s30 =	sand.u32 $0x7, s10;
	s20 =	sshrl.u32 s29, $0x7;
	s21 =	simm.s32 @!p1 $0xF41C0  }
0x4e: {  	v61 =	vld [tilespmem:s17+$0x10];
	[tilespmem:s18+$0x0 ss:$0x41] =	vst.msk $0xffff, v1;
	p1 =	sgt.s32 s10, $0x40;
	s24 =	ssub.s32 s21, s22;
	s21 =	smov.u32 s10  }
0x4f: {  	v62 =	vld [tilespmem:s17+$0x20];
	[tilespmem:s19+$0x1C70 ss:$0x41] =	vst.msk $0xffff, v0;
	s31 =	smulhi.u32 $0x218DEF5, s20;
	s22 =	sand.u32 s25, s10;
	s21 =	simm.s32 @!p1 $0x40  }
0x50: {  	v63 =	vld [tilespmem:s17+$0xFFFFFFC0];
	[tilespmem:s19+$0x410 ss:$0x41] =	vst.msk $0xffff, v5;
	s26 =	sadd.s32 $0xFFF0BE40, s24;
	s17 =	ssub.s32 $0xF4240, s24;
	s21 =	ssub.s32 s21, s22  }
0x51: {  	[tilespmem:s19+$0x820 ss:$0x41] =	vst.msk $0xffff, v58;
	s23 =	sshrl.u32 s31, $0xD;
	p1 =	sgt.s32 s26, $0x7F;
	s27 =	sadd.s32 $0xFFFFFFC0, s21  }
0x52: {  	[tilespmem:s19+$0xC30 ss:$0x41] =	vst.msk $0xffff, v59;
	s23 =	smul.u32 $0xF4240, s23;
	s18 =	ssub.s32 $0x80, s21;
	p2 =	sgt.s32 s27, $0x3F  }
.Ltmp4:
0x53: {  	[tilespmem:s19+$0x1040 ss:$0x41] =	vst.msk $0xffff, v60;
	s17 =	simm.s32 @p1 $0x0;
	s18 =	simm.s32 @p2 $0x0;
	(pc) =	sbr.rel .LBB1_5-.Ltmp4, $4  }
0x54: {  	s29 =	sand.u32 $0xF, s28;
	[tilespmem:s19+$0x1450 ss:$0x41] =	vst.msk $0xffff, v61;
	s20 =	ssub.s32 s20, s23;
	s17 =	smul.u32 s18, s17  }
0x55: {  	[tilespmem:s19+$0x1860 ss:$0x41] =	vst.msk $0xffff, v62;
	s21 =	sshll.u32 s30, $0x12;
	s20 =	sshll.u32 s20, $0x4;
	s18 =	sadd.s32 s5, s29  }
0x56: {  	[tilespmem:s19+$0x0 ss:$0x41] =	vst.msk $0xffff, v63;
	s31 =	sor.u32 $0x40, s21;
	s18 =	sadd.s32 s20, s18;
	s17 =	sand.u32 $0x3FFFFFFF, s17  }
0x57: {  	[hbm4b:s18+s31] =	stream.strided.scatter [tilespmem:s16], [sflag:$0x2], s17, s8, s31, $0x18;
	[tilespmem:$0x8100] =	vst v63  }
.LBB1_6:
0x58: {  	_ =	sfence.sel $0x180000  }
0x59: {  	s2 =	simm.s32 $0x1;
	[bflag:$0x0] =	sbarrier.arrive $0xFFFF  }
0x5a: {  	s31 =	simm.s32 $0x2;
	[sflag:s2] =	ssyncpa.u1 $0x1  }
0x5b: {  	[sflag:s31] =	ssyncpa.u1 $0x1  }
0x5c: {  	p0 =	sne.s32 s1, $0x0;
	_ =	strace $0x90000047  }
0x5d: {  	s0 =	sadd.s32 @!p0 $0x100000, s0;
	[bflag:$0x2] =	sbarrier.arrive $0xFFFF  }
0x5e: {  	[sflag:s0] =	ssyncadd.tile.s32 @!p0 $0x1;
	_ =	shalt  }
.Lfunc_end1:
_tile_overlayer_lowered:
.L_overlay_start_2:
0x5f: {  	(tag) =	ssettag $0x2  }
0x60: {  	s0 =	rddreg [dreg:$0x0];
	s2 =	stileid.u32  }
0x61: {  	s1 =	rddreg [dreg:$0x1];
	p0 =	sne.s32 s2, $0x0  }
0x62: {  	s3 =	rddreg [dreg:$0x2];
	[bflag:$0x3] =	sbarrier.arrive $0xFFFF;
	s2 =	simm.s32 @!p0 $0x1C01  }
0x63: {  	[timem:s3], [sflag:s2] =	dma.local @!p0 [hbm:s0], s1  }
0x64: {  	s0 =	simm.s32 @!p0 $0x1  }
0x65: {  	_ =	swait.ge @!p0 [sflag:s0], s1  }
0x66: {  	s1 =	ssub.s32 @!p0 $0x0, s1;
	[sflag:s0] =	ssyncset.done @!p0 $0x0  }
0x67: {  	[sflag:s0] =	ssyncadd.s32 @!p0 s1  }
0x68: {  	[bflag:$0x3] =	sbarrier.arrive $0xFFFF  }
0x69: {  	_ =	shalt  }

</sc_bundles>
